<compile_context>
chip_gen: v7x
topology: tpu7x:2x2x1
jax: 0.10.2.dev20260603
libtpu: 0.0.44.dev20260713+nightly
codegen_flags: <defaults>
</compile_context>

<pallas_src>
import functools

import jax
import jax.numpy as jnp
from jax import lax
from jax.experimental import pallas as pl
from jax.experimental.pallas import tpu as pltpu
from jax.experimental.pallas import tpu_sc as plsc

NC = 2
NS = 16
C = 128
HD = 64
DH = 72
ZR = 128
RING = 4
BR = 125
SS = 2


def _sc_aggregate(x, src, dst, n_rows, n_acc, chunks):
    rpt = n_acc // NS
    bpt = n_rows // NS
    nblk = bpt // BR
    half = chunks // SS
    steps = half // RING

    mesh = plsc.VectorSubcoreMesh(core_axis_name="c", subcore_axis_name="s")

    @functools.partial(
        pl.kernel,
        mesh=mesh,
        compiler_params=pltpu.CompilerParams(use_tc_tiling_on_sc=False),
        out_type=[
            jax.ShapeDtypeStruct((NC, n_acc, DH), jnp.float32),
            jax.ShapeDtypeStruct((NC, n_rows, DH), jnp.float32),
        ],
        scratch_types=[
            pltpu.VMEM((half, C), jnp.int32),
            pltpu.VMEM((half, C), jnp.int32),
            [pltpu.VMEM((C, DH), jnp.float32) for _ in range(RING)],
            pltpu.VMEM((ZR, DH), jnp.float32),
            [pltpu.VMEM((BR, HD), jnp.float32) for _ in range(2)],
            pltpu.VMEM((BR, DH - HD), jnp.float32),
            pltpu.VMEM_SHARED((n_acc, DH), jnp.float32),
            [pltpu.SemaphoreType.DMA for _ in range(RING)],
            [pltpu.SemaphoreType.DMA for _ in range(RING)],
            [pltpu.SemaphoreType.DMA for _ in range(2)],
            [pltpu.SemaphoreType.DMA for _ in range(2)],
            pltpu.SemaphoreType.DMA,
        ],
    )
    def agg_kernel(x_hbm, src_hbm, dst_hbm, z_hbm, ones_hbm, part_hbm, xh_hbm,
                   src_v, dst_v, rows, zbuf, xb, onesbuf, acc,
                   gsem, ssem, rsem, wsem, osem):
        cid = lax.axis_index("c")
        sid = lax.axis_index("s")
        row0 = sid * rpt
        col0 = cid * HD

        pltpu.sync_copy(ones_hbm, onesbuf)
        reads, writes, ones_w = [None] * nblk, [None] * nblk, []

        def blk_rows(blk):
            return pl.ds(sid * bpt + blk * BR, BR)

        reads[0] = pltpu.async_copy(
            x_hbm.at[blk_rows(0), pl.ds(col0, HD)], xb[0], rsem[0])
        for blk in range(nblk):
            p = blk % 2
            reads[blk].wait()
            writes[blk] = pltpu.async_copy(
                xb[p], xh_hbm.at[cid, blk_rows(blk), pl.ds(0, HD)], wsem[p])
            ones_w.append(pltpu.async_copy(
                onesbuf, xh_hbm.at[cid, blk_rows(blk), pl.ds(HD, DH - HD)],
                osem))
            if blk + 1 < nblk:
                if blk - 1 >= 0:
                    writes[blk - 1].wait()
                reads[blk + 1] = pltpu.async_copy(
                    x_hbm.at[blk_rows(blk + 1), pl.ds(col0, HD)],
                    xb[(blk + 1) % 2], rsem[(blk + 1) % 2])

        pltpu.sync_copy(z_hbm, zbuf)
        for k in range(rpt // ZR):
            pltpu.sync_copy(zbuf, acc.at[pl.ds(row0 + k * ZR, ZR)])

        writes[nblk - 2].wait()
        writes[nblk - 1].wait()
        for w in ones_w:
            w.wait()
        plsc.subcore_barrier()

        x_r = xh_hbm.at[cid]

        def sbody(ss, carry):
            pltpu.sync_copy(src_hbm.at[sid, pl.ds(ss * half, half)], src_v)
            pltpu.sync_copy(dst_hbm.at[sid, pl.ds(ss * half, half)], dst_v)
            for b in range(RING):
                pltpu.async_copy(x_r.at[src_v.at[b]], rows[b], gsem[b])

            def body(g, carry):
                j0 = RING * g
                scatters = []
                for b in range(RING):
                    pltpu.make_async_copy(
                        x_r.at[src_v.at[j0 + b]], rows[b], gsem[b]).wait()
                    scatters.append(pltpu.async_copy(
                        rows[b], acc.at[dst_v.at[j0 + b]], ssem[b], add=True))
                for b in range(RING):
                    scatters[b].wait()

                    @pl.when(g < steps - 1)
                    def _():
                        pltpu.async_copy(
                            x_r.at[src_v.at[j0 + RING + b]], rows[b], gsem[b])
                return carry

            lax.fori_loop(0, steps, body, 0)
            return carry

        lax.fori_loop(0, SS, sbody, 0)
        plsc.subcore_barrier()
        pltpu.sync_copy(acc.at[pl.ds(row0, rpt)],
                        part_hbm.at[cid, pl.ds(row0, rpt)])

    zeros = jnp.zeros((ZR, DH), jnp.float32)
    ones_pat = jnp.zeros((BR, DH - HD), jnp.float32).at[:, 0].set(1.0)
    return agg_kernel(x, src, dst, zeros, ones_pat)


def _finalize(parts, W, b, bn, n_rows):
    D = W.shape[0]

    def fin_kernel(p_ref, w0_ref, w1_ref, b_ref, o_ref):
        s_lo = p_ref[0]
        s_hi = p_ref[1]
        deg = jnp.maximum(s_lo[:, HD:HD + 1], 1.0)
        h = jnp.dot(s_lo[:, :HD] / deg, w0_ref[...],
                    preferred_element_type=jnp.float32)
        h += jnp.dot(s_hi[:, :HD] / deg, w1_ref[...],
                     preferred_element_type=jnp.float32)
        o_ref[...] = jnp.maximum(h + b_ref[...], 0.0)

    return pl.pallas_call(
        fin_kernel,
        grid=(n_rows // bn,),
        in_specs=[
            pl.BlockSpec((NC, bn, DH), lambda i: (0, i, 0)),
            pl.BlockSpec((HD, D), lambda i: (0, 0)),
            pl.BlockSpec((HD, D), lambda i: (0, 0)),
            pl.BlockSpec((1, D), lambda i: (0, 0)),
        ],
        out_specs=pl.BlockSpec((bn, D), lambda i: (i, 0)),
        out_shape=jax.ShapeDtypeStruct((n_rows, D), jnp.float32),
    )(parts, W[:HD], W[HD:], b.reshape(1, D))


def kernel(x, edge_index, W, b):
    n_rows, D = x.shape
    E = edge_index.shape[1]

    chunks = SS * RING * -(-E // (NS * C * SS * RING))
    e_pad = NS * chunks * C
    pad = e_pad - E

    n_acc = NS * ZR * (n_rows // (NS * ZR) + 1)
    n_junk = n_acc - n_rows

    pad_ar = jnp.arange(pad, dtype=jnp.int32)
    src = jnp.concatenate(
        [edge_index[0].astype(jnp.int32), pad_ar % n_rows])
    dst = jnp.concatenate(
        [edge_index[1].astype(jnp.int32), n_rows + pad_ar % n_junk])
    src = src.reshape(NS, chunks, C)
    dst = dst.reshape(NS, chunks, C)

    parts, _ = _sc_aggregate(x, src, dst, n_rows, n_acc, chunks)
    return _finalize(parts, W, b, bn=1000, n_rows=n_rows)

# --- scband reference (transcript-rebuilt; emitter-appended) ---
"""Pipeline reference for scband-hca-21526376087644 (READ-ONLY COPY).

The authoritative reference and input builder live on the scoring server;
editing this copy changes nothing except your own understanding.
"""

import jax, jax.numpy as jnp
import numpy as np

N = 10000
D = 128
E = 320000

def setup_inputs(seed: int = 0) -> dict:
    key = jax.random.key(seed)
    k1, k2, k3 = jax.random.split(key, 3)
    x = jax.random.normal(k1, (N, D), dtype=jnp.float32)
    edge_index = jax.random.randint(k2, (2, E), 0, N, dtype=jnp.int64)
    W = jax.random.normal(k3, (D, D), dtype=jnp.float32) * (1.0 / np.sqrt(D))
    b = jnp.zeros((D,), dtype=jnp.float32)
    return {"x": x, "edge_index": edge_index, "W": W, "b": b}

def reference(x, edge_index, W, b):
    # One message-passing step of the GNCA layer (GeneralGNN with
    # message_passing=1, activation='relu', no pooling, no batch norm):
    #   h = relu( (D^-1 A x) W + b )  with mean aggregation over incoming edges.
    src = edge_index[0]
    dst = edge_index[1]
    # gather source node features along edges (SparseCore gather)
    messages = jnp.take(x, src, axis=0)               # [E, D]
    # scatter-add messages to destination nodes (SparseCore scatter-add)
    agg = jax.ops.segment_sum(messages, dst, num_segments=N)  # [N, D]
    # in-degree normalization (mean aggregation)
    deg = jax.ops.segment_sum(jnp.ones((E,), dtype=x.dtype), dst, num_segments=N)
    deg = jnp.maximum(deg, 1.0)
    agg = agg / deg[:, None]
    # dense update + activation
    out = jnp.maximum(agg @ W + b, 0.0)
    return out

if __name__ == "__main__":
    import jax
    _d = setup_inputs()
    print(jax.jit(kernel)(*tuple(_d.values())))

</pallas_src>

<mosaic_0001>
#map = affine_map<(d0, d1) -> (0, 0)>
#map1 = affine_map<(d0, d1) -> (0, 0, 0)>
module attributes {stable_mosaic.version = 14 : i64} {
  func.func @agg_kernel(%arg0: i32, %arg1: i32, %arg2: memref<10000x128xf32, #tpu.memory_space<hbm>>, %arg3: memref<16x160x128xi32, #tpu.memory_space<hbm>>, %arg4: memref<16x160x128xi32, #tpu.memory_space<hbm>>, %arg5: memref<128x72xf32, #tpu.memory_space<hbm>>, %arg6: memref<125x8xf32, #tpu.memory_space<hbm>>, %arg7: memref<2x10240x72xf32, #tpu.memory_space<hbm>>, %arg8: memref<2x10000x72xf32, #tpu.memory_space<hbm>>, %arg9: memref<80x128xi32, #tpu.memory_space<vmem>>, %arg10: memref<80x128xi32, #tpu.memory_space<vmem>>, %arg11: memref<128x72xf32, #tpu.memory_space<vmem>>, %arg12: memref<128x72xf32, #tpu.memory_space<vmem>>, %arg13: memref<128x72xf32, #tpu.memory_space<vmem>>, %arg14: memref<128x72xf32, #tpu.memory_space<vmem>>, %arg15: memref<128x72xf32, #tpu.memory_space<vmem>>, %arg16: memref<125x64xf32, #tpu.memory_space<vmem>>, %arg17: memref<125x64xf32, #tpu.memory_space<vmem>>, %arg18: memref<125x8xf32, #tpu.memory_space<vmem>>, %arg19: memref<10240x72xf32, #tpu.memory_space<vmem_shared>>, %arg20: memref<!tpu.dma_semaphore, #tpu.memory_space<semaphore_mem>>, %arg21: memref<!tpu.dma_semaphore, #tpu.memory_space<semaphore_mem>>, %arg22: memref<!tpu.dma_semaphore, #tpu.memory_space<semaphore_mem>>, %arg23: memref<!tpu.dma_semaphore, #tpu.memory_space<semaphore_mem>>, %arg24: memref<!tpu.dma_semaphore, #tpu.memory_space<semaphore_mem>>, %arg25: memref<!tpu.dma_semaphore, #tpu.memory_space<semaphore_mem>>, %arg26: memref<!tpu.dma_semaphore, #tpu.memory_space<semaphore_mem>>, %arg27: memref<!tpu.dma_semaphore, #tpu.memory_space<semaphore_mem>>, %arg28: memref<!tpu.dma_semaphore, #tpu.memory_space<semaphore_mem>>, %arg29: memref<!tpu.dma_semaphore, #tpu.memory_space<semaphore_mem>>, %arg30: memref<!tpu.dma_semaphore, #tpu.memory_space<semaphore_mem>>, %arg31: memref<!tpu.dma_semaphore, #tpu.memory_space<semaphore_mem>>, %arg32: memref<!tpu.dma_semaphore, #tpu.memory_space<semaphore_mem>>) attributes {dimension_semantics = [#tpu.dimension_semantics<core_parallel>, #tpu.dimension_semantics<subcore_parallel>], iteration_bounds = array<i64: 2, 16>, scalar_prefetch = 0 : i64, scratch_operands = 24 : i64, tpu.core_type = #tpu.core_type<sc_vector_subcore>, window_params = [{transform_indices = #map}, {transform_indices = #map1}, {transform_indices = #map1}, {transform_indices = #map}, {transform_indices = #map}, {transform_indices = #map1}, {transform_indices = #map1}]} {
    %mul3A = arith.constant 640 : i32
    %mul3A_0 = arith.muli %arg1, %mul3A : i32
    %mul3A_1 = arith.constant 64 : i32
    %mul3A_2 = arith.muli %arg0, %mul3A_1 : i32
    "tpu.region"() ({
      %run_scoped3A = tpu.sem_alloc : memref<!tpu.dma_semaphore, #tpu.memory_space<semaphore_mem>>
      tpu.enqueue_dma source(%arg6 : memref<125x8xf32, #tpu.memory_space<hbm>>) target(%arg18 : memref<125x8xf32, #tpu.memory_space<vmem>>) target_semaphore(%run_scoped3A : memref<!tpu.dma_semaphore, #tpu.memory_space<semaphore_mem>>)
      tpu.wait_dma2 semaphore(%run_scoped3A : memref<!tpu.dma_semaphore, #tpu.memory_space<semaphore_mem>>) src(%arg6 : memref<125x8xf32, #tpu.memory_space<hbm>>) dst(%arg18 : memref<125x8xf32, #tpu.memory_space<vmem>>)
      tpu.yield
    }) : () -> ()
    %mul3A_3 = arith.constant 625 : i32
    %mul3A_4 = arith.muli %arg1, %mul3A_3 : i32
    %add3A = arith.constant 0 : i32
    %add3A_5 = arith.addi %mul3A_4, %add3A : i32
    %dma_start3A = tpu.memref_slice %arg2[%add3A_5, %mul3A_2] : memref<10000x128xf32, #tpu.memory_space<hbm>> -> memref<125x64xf32, #tpu.memory_space<hbm>>
    %dma_start3A_6 = tpu.memref_slice %arg2[%add3A_5, %mul3A_2] : memref<10000x128xf32, #tpu.memory_space<hbm>> -> memref<125x64xf32, #tpu.memory_space<hbm>>
    tpu.enqueue_dma source(%dma_start3A_6 : memref<125x64xf32, #tpu.memory_space<hbm>>) target(%arg16 : memref<125x64xf32, #tpu.memory_space<vmem>>) target_semaphore(%arg28 : memref<!tpu.dma_semaphore, #tpu.memory_space<semaphore_mem>>)
    %dma_wait3A = tpu.memref_slice %arg2[%add3A_5, %mul3A_2] : memref<10000x128xf32, #tpu.memory_space<hbm>> -> memref<125x64xf32, #tpu.memory_space<hbm>>
    %dma_wait3A_7 = tpu.memref_slice %arg2[%add3A_5, %mul3A_2] : memref<10000x128xf32, #tpu.memory_space<hbm>> -> memref<125x64xf32, #tpu.memory_space<hbm>>
    tpu.wait_dma2 semaphore(%arg28 : memref<!tpu.dma_semaphore, #tpu.memory_space<semaphore_mem>>) src(%dma_wait3A_7 : memref<125x64xf32, #tpu.memory_space<hbm>>) dst(%arg16 : memref<125x64xf32, #tpu.memory_space<vmem>>)
    %mul3A_8 = arith.constant 625 : i32
    %mul3A_9 = arith.muli %arg1, %mul3A_8 : i32
    %add3A_10 = arith.constant 0 : i32
    %add3A_11 = arith.addi %mul3A_9, %add3A_10 : i32
    %dma_start3A_12 = arith.constant 0 : i32
    %dma_start3A_13 = tpu.memref_slice %arg8[%arg0, %add3A_11, %dma_start3A_12] : memref<2x10000x72xf32, #tpu.memory_space<hbm>> -> memref<1x125x64xf32, #tpu.memory_space<hbm>>
    %dma_start3A_14 = tpu.memref_squeeze %dma_start3A_13 : memref<1x125x64xf32, #tpu.memory_space<hbm>> -> memref<125x64xf32, #tpu.memory_space<hbm>>
    %dma_start3A_15 = arith.constant 0 : i32
    %dma_start3A_16 = tpu.memref_slice %arg8[%arg0, %add3A_11, %dma_start3A_15] : memref<2x10000x72xf32, #tpu.memory_space<hbm>> -> memref<1x125x64xf32, #tpu.memory_space<hbm>>
    %dma_start3A_17 = tpu.memref_squeeze %dma_start3A_16 : memref<1x125x64xf32, #tpu.memory_space<hbm>> -> memref<125x64xf32, #tpu.memory_space<hbm>>
    tpu.enqueue_dma source(%arg16 : memref<125x64xf32, #tpu.memory_space<vmem>>) target(%dma_start3A_17 : memref<125x64xf32, #tpu.memory_space<hbm>>) target_semaphore(%arg30 : memref<!tpu.dma_semaphore, #tpu.memory_space<semaphore_mem>>)
    %mul3A_18 = arith.constant 625 : i32
    %mul3A_19 = arith.muli %arg1, %mul3A_18 : i32
    %add3A_20 = arith.constant 0 : i32
    %add3A_21 = arith.addi %mul3A_19, %add3A_20 : i32
    %dma_start3A_22 = arith.constant 64 : i32
    %dma_start3A_23 = tpu.memref_slice %arg8[%arg0, %add3A_21, %dma_start3A_22] : memref<2x10000x72xf32, #tpu.memory_space<hbm>> -> memref<1x125x8xf32, #tpu.memory_space<hbm>>
    %dma_start3A_24 = tpu.memref_squeeze %dma_start3A_23 : memref<1x125x8xf32, #tpu.memory_space<hbm>> -> memref<125x8xf32, #tpu.memory_space<hbm>>
    %dma_start3A_25 = arith.constant 64 : i32
    %dma_start3A_26 = tpu.memref_slice %arg8[%arg0, %add3A_21, %dma_start3A_25] : memref<2x10000x72xf32, #tpu.memory_space<hbm>> -> memref<1x125x8xf32, #tpu.memory_space<hbm>>
    %dma_start3A_27 = tpu.memref_squeeze %dma_start3A_26 : memref<1x125x8xf32, #tpu.memory_space<hbm>> -> memref<125x8xf32, #tpu.memory_space<hbm>>
    tpu.enqueue_dma source(%arg18 : memref<125x8xf32, #tpu.memory_space<vmem>>) target(%dma_start3A_27 : memref<125x8xf32, #tpu.memory_space<hbm>>) target_semaphore(%arg32 : memref<!tpu.dma_semaphore, #tpu.memory_space<semaphore_mem>>)
    %mul3A_28 = arith.constant 625 : i32
    %mul3A_29 = arith.muli %arg1, %mul3A_28 : i32
    %add3A_30 = arith.constant 125 : i32
    %add3A_31 = arith.addi %mul3A_29, %add3A_30 : i32
    %dma_start3A_32 = tpu.memref_slice %arg2[%add3A_31, %mul3A_2] : memref<10000x128xf32, #tpu.memory_space<hbm>> -> memref<125x64xf32, #tpu.memory_space<hbm>>
    %dma_start3A_33 = tpu.memref_slice %arg2[%add3A_31, %mul3A_2] : memref<10000x128xf32, #tpu.memory_space<hbm>> -> memref<125x64xf32, #tpu.memory_space<hbm>>
    tpu.enqueue_dma source(%dma_start3A_33 : memref<125x64xf32, #tpu.memory_space<hbm>>) target(%arg17 : memref<125x64xf32, #tpu.memory_space<vmem>>) target_semaphore(%arg29 : memref<!tpu.dma_semaphore, #tpu.memory_space<semaphore_mem>>)
    %dma_wait3A_34 = tpu.memref_slice %arg2[%add3A_31, %mul3A_2] : memref<10000x128xf32, #tpu.memory_space<hbm>> -> memref<125x64xf32, #tpu.memory_space<hbm>>
    %dma_wait3A_35 = tpu.memref_slice %arg2[%add3A_31, %mul3A_2] : memref<10000x128xf32, #tpu.memory_space<hbm>> -> memref<125x64xf32, #tpu.memory_space<hbm>>
    tpu.wait_dma2 semaphore(%arg29 : memref<!tpu.dma_semaphore, #tpu.memory_space<semaphore_mem>>) src(%dma_wait3A_35 : memref<125x64xf32, #tpu.memory_space<hbm>>) dst(%arg17 : memref<125x64xf32, #tpu.memory_space<vmem>>)
    %mul3A_36 = arith.constant 625 : i32
    %mul3A_37 = arith.muli %arg1, %mul3A_36 : i32
    %add3A_38 = arith.constant 125 : i32
    %add3A_39 = arith.addi %mul3A_37, %add3A_38 : i32
    %dma_start3A_40 = arith.constant 0 : i32
    %dma_start3A_41 = tpu.memref_slice %arg8[%arg0, %add3A_39, %dma_start3A_40] : memref<2x10000x72xf32, #tpu.memory_space<hbm>> -> memref<1x125x64xf32, #tpu.memory_space<hbm>>
    %dma_start3A_42 = tpu.memref_squeeze %dma_start3A_41 : memref<1x125x64xf32, #tpu.memory_space<hbm>> -> memref<125x64xf32, #tpu.memory_space<hbm>>
    %dma_start3A_43 = arith.constant 0 : i32
    %dma_start3A_44 = tpu.memref_slice %arg8[%arg0, %add3A_39, %dma_start3A_43] : memref<2x10000x72xf32, #tpu.memory_space<hbm>> -> memref<1x125x64xf32, #tpu.memory_space<hbm>>
    %dma_start3A_45 = tpu.memref_squeeze %dma_start3A_44 : memref<1x125x64xf32, #tpu.memory_space<hbm>> -> memref<125x64xf32, #tpu.memory_space<hbm>>
    tpu.enqueue_dma source(%arg17 : memref<125x64xf32, #tpu.memory_space<vmem>>) target(%dma_start3A_45 : memref<125x64xf32, #tpu.memory_space<hbm>>) target_semaphore(%arg31 : memref<!tpu.dma_semaphore, #tpu.memory_space<semaphore_mem>>)
    %mul3A_46 = arith.constant 625 : i32
    %mul3A_47 = arith.muli %arg1, %mul3A_46 : i32
    %add3A_48 = arith.constant 125 : i32
    %add3A_49 = arith.addi %mul3A_47, %add3A_48 : i32
    %dma_start3A_50 = arith.constant 64 : i32
    %dma_start3A_51 = tpu.memref_slice %arg8[%arg0, %add3A_49, %dma_start3A_50] : memref<2x10000x72xf32, #tpu.memory_space<hbm>> -> memref<1x125x8xf32, #tpu.memory_space<hbm>>
    %dma_start3A_52 = tpu.memref_squeeze %dma_start3A_51 : memref<1x125x8xf32, #tpu.memory_space<hbm>> -> memref<125x8xf32, #tpu.memory_space<hbm>>
    %dma_start3A_53 = arith.constant 64 : i32
    %dma_start3A_54 = tpu.memref_slice %arg8[%arg0, %add3A_49, %dma_start3A_53] : memref<2x10000x72xf32, #tpu.memory_space<hbm>> -> memref<1x125x8xf32, #tpu.memory_space<hbm>>
    %dma_start3A_55 = tpu.memref_squeeze %dma_start3A_54 : memref<1x125x8xf32, #tpu.memory_space<hbm>> -> memref<125x8xf32, #tpu.memory_space<hbm>>
    tpu.enqueue_dma source(%arg18 : memref<125x8xf32, #tpu.memory_space<vmem>>) target(%dma_start3A_55 : memref<125x8xf32, #tpu.memory_space<hbm>>) target_semaphore(%arg32 : memref<!tpu.dma_semaphore, #tpu.memory_space<semaphore_mem>>)
    %dma_wait3A_56 = arith.constant 0 : i32
    %dma_wait3A_57 = tpu.memref_slice %arg8[%arg0, %add3A_11, %dma_wait3A_56] : memref<2x10000x72xf32, #tpu.memory_space<hbm>> -> memref<1x125x64xf32, #tpu.memory_space<hbm>>
    %dma_wait3A_58 = tpu.memref_squeeze %dma_wait3A_57 : memref<1x125x64xf32, #tpu.memory_space<hbm>> -> memref<125x64xf32, #tpu.memory_space<hbm>>
    %dma_wait3A_59 = arith.constant 0 : i32
    %dma_wait3A_60 = tpu.memref_slice %arg8[%arg0, %add3A_11, %dma_wait3A_59] : memref<2x10000x72xf32, #tpu.memory_space<hbm>> -> memref<1x125x64xf32, #tpu.memory_space<hbm>>
    %dma_wait3A_61 = tpu.memref_squeeze %dma_wait3A_60 : memref<1x125x64xf32, #tpu.memory_space<hbm>> -> memref<125x64xf32, #tpu.memory_space<hbm>>
    tpu.wait_dma2 semaphore(%arg30 : memref<!tpu.dma_semaphore, #tpu.memory_space<semaphore_mem>>) src(%arg16 : memref<125x64xf32, #tpu.memory_space<vmem>>) dst(%dma_wait3A_61 : memref<125x64xf32, #tpu.memory_space<hbm>>)
    %mul3A_62 = arith.constant 625 : i32
    %mul3A_63 = arith.muli %arg1, %mul3A_62 : i32
    %add3A_64 = arith.constant 250 : i32
    %add3A_65 = arith.addi %mul3A_63, %add3A_64 : i32
    %dma_start3A_66 = tpu.memref_slice %arg2[%add3A_65, %mul3A_2] : memref<10000x128xf32, #tpu.memory_space<hbm>> -> memref<125x64xf32, #tpu.memory_space<hbm>>
    %dma_start3A_67 = tpu.memref_slice %arg2[%add3A_65, %mul3A_2] : memref<10000x128xf32, #tpu.memory_space<hbm>> -> memref<125x64xf32, #tpu.memory_space<hbm>>
    tpu.enqueue_dma source(%dma_start3A_67 : memref<125x64xf32, #tpu.memory_space<hbm>>) target(%arg16 : memref<125x64xf32, #tpu.memory_space<vmem>>) target_semaphore(%arg28 : memref<!tpu.dma_semaphore, #tpu.memory_space<semaphore_mem>>)
    %dma_wait3A_68 = tpu.memref_slice %arg2[%add3A_65, %mul3A_2] : memref<10000x128xf32, #tpu.memory_space<hbm>> -> memref<125x64xf32, #tpu.memory_space<hbm>>
    %dma_wait3A_69 = tpu.memref_slice %arg2[%add3A_65, %mul3A_2] : memref<10000x128xf32, #tpu.memory_space<hbm>> -> memref<125x64xf32, #tpu.memory_space<hbm>>
    tpu.wait_dma2 semaphore(%arg28 : memref<!tpu.dma_semaphore, #tpu.memory_space<semaphore_mem>>) src(%dma_wait3A_69 : memref<125x64xf32, #tpu.memory_space<hbm>>) dst(%arg16 : memref<125x64xf32, #tpu.memory_space<vmem>>)
    %mul3A_70 = arith.constant 625 : i32
    %mul3A_71 = arith.muli %arg1, %mul3A_70 : i32
    %add3A_72 = arith.constant 250 : i32
    %add3A_73 = arith.addi %mul3A_71, %add3A_72 : i32
    %dma_start3A_74 = arith.constant 0 : i32
    %dma_start3A_75 = tpu.memref_slice %arg8[%arg0, %add3A_73, %dma_start3A_74] : memref<2x10000x72xf32, #tpu.memory_space<hbm>> -> memref<1x125x64xf32, #tpu.memory_space<hbm>>
    %dma_start3A_76 = tpu.memref_squeeze %dma_start3A_75 : memref<1x125x64xf32, #tpu.memory_space<hbm>> -> memref<125x64xf32, #tpu.memory_space<hbm>>
    %dma_start3A_77 = arith.constant 0 : i32
    %dma_start3A_78 = tpu.memref_slice %arg8[%arg0, %add3A_73, %dma_start3A_77] : memref<2x10000x72xf32, #tpu.memory_space<hbm>> -> memref<1x125x64xf32, #tpu.memory_space<hbm>>
    %dma_start3A_79 = tpu.memref_squeeze %dma_start3A_78 : memref<1x125x64xf32, #tpu.memory_space<hbm>> -> memref<125x64xf32, #tpu.memory_space<hbm>>
    tpu.enqueue_dma source(%arg16 : memref<125x64xf32, #tpu.memory_space<vmem>>) target(%dma_start3A_79 : memref<125x64xf32, #tpu.memory_space<hbm>>) target_semaphore(%arg30 : memref<!tpu.dma_semaphore, #tpu.memory_space<semaphore_mem>>)
    %mul3A_80 = arith.constant 625 : i32
    %mul3A_81 = arith.muli %arg1, %mul3A_80 : i32
    %add3A_82 = arith.constant 250 : i32
    %add3A_83 = arith.addi %mul3A_81, %add3A_82 : i32
    %dma_start3A_84 = arith.constant 64 : i32
    %dma_start3A_85 = tpu.memref_slice %arg8[%arg0, %add3A_83, %dma_start3A_84] : memref<2x10000x72xf32, #tpu.memory_space<hbm>> -> memref<1x125x8xf32, #tpu.memory_space<hbm>>
    %dma_start3A_86 = tpu.memref_squeeze %dma_start3A_85 : memref<1x125x8xf32, #tpu.memory_space<hbm>> -> memref<125x8xf32, #tpu.memory_space<hbm>>
    %dma_start3A_87 = arith.constant 64 : i32
    %dma_start3A_88 = tpu.memref_slice %arg8[%arg0, %add3A_83, %dma_start3A_87] : memref<2x10000x72xf32, #tpu.memory_space<hbm>> -> memref<1x125x8xf32, #tpu.memory_space<hbm>>
    %dma_start3A_89 = tpu.memref_squeeze %dma_start3A_88 : memref<1x125x8xf32, #tpu.memory_space<hbm>> -> memref<125x8xf32, #tpu.memory_space<hbm>>
    tpu.enqueue_dma source(%arg18 : memref<125x8xf32, #tpu.memory_space<vmem>>) target(%dma_start3A_89 : memref<125x8xf32, #tpu.memory_space<hbm>>) target_semaphore(%arg32 : memref<!tpu.dma_semaphore, #tpu.memory_space<semaphore_mem>>)
    %dma_wait3A_90 = arith.constant 0 : i32
    %dma_wait3A_91 = tpu.memref_slice %arg8[%arg0, %add3A_39, %dma_wait3A_90] : memref<2x10000x72xf32, #tpu.memory_space<hbm>> -> memref<1x125x64xf32, #tpu.memory_space<hbm>>
    %dma_wait3A_92 = tpu.memref_squeeze %dma_wait3A_91 : memref<1x125x64xf32, #tpu.memory_space<hbm>> -> memref<125x64xf32, #tpu.memory_space<hbm>>
    %dma_wait3A_93 = arith.constant 0 : i32
    %dma_wait3A_94 = tpu.memref_slice %arg8[%arg0, %add3A_39, %dma_wait3A_93] : memref<2x10000x72xf32, #tpu.memory_space<hbm>> -> memref<1x125x64xf32, #tpu.memory_space<hbm>>
    %dma_wait3A_95 = tpu.memref_squeeze %dma_wait3A_94 : memref<1x125x64xf32, #tpu.memory_space<hbm>> -> memref<125x64xf32, #tpu.memory_space<hbm>>
    tpu.wait_dma2 semaphore(%arg31 : memref<!tpu.dma_semaphore, #tpu.memory_space<semaphore_mem>>) src(%arg17 : memref<125x64xf32, #tpu.memory_space<vmem>>) dst(%dma_wait3A_95 : memref<125x64xf32, #tpu.memory_space<hbm>>)
    %mul3A_96 = arith.constant 625 : i32
    %mul3A_97 = arith.muli %arg1, %mul3A_96 : i32
    %add3A_98 = arith.constant 375 : i32
    %add3A_99 = arith.addi %mul3A_97, %add3A_98 : i32
    %dma_start3A_100 = tpu.memref_slice %arg2[%add3A_99, %mul3A_2] : memref<10000x128xf32, #tpu.memory_space<hbm>> -> memref<125x64xf32, #tpu.memory_space<hbm>>
    %dma_start3A_101 = tpu.memref_slice %arg2[%add3A_99, %mul3A_2] : memref<10000x128xf32, #tpu.memory_space<hbm>> -> memref<125x64xf32, #tpu.memory_space<hbm>>
    tpu.enqueue_dma source(%dma_start3A_101 : memref<125x64xf32, #tpu.memory_space<hbm>>) target(%arg17 : memref<125x64xf32, #tpu.memory_space<vmem>>) target_semaphore(%arg29 : memref<!tpu.dma_semaphore, #tpu.memory_space<semaphore_mem>>)
    %dma_wait3A_102 = tpu.memref_slice %arg2[%add3A_99, %mul3A_2] : memref<10000x128xf32, #tpu.memory_space<hbm>> -> memref<125x64xf32, #tpu.memory_space<hbm>>
    %dma_wait3A_103 = tpu.memref_slice %arg2[%add3A_99, %mul3A_2] : memref<10000x128xf32, #tpu.memory_space<hbm>> -> memref<125x64xf32, #tpu.memory_space<hbm>>
    tpu.wait_dma2 semaphore(%arg29 : memref<!tpu.dma_semaphore, #tpu.memory_space<semaphore_mem>>) src(%dma_wait3A_103 : memref<125x64xf32, #tpu.memory_space<hbm>>) dst(%arg17 : memref<125x64xf32, #tpu.memory_space<vmem>>)
    %mul3A_104 = arith.constant 625 : i32
    %mul3A_105 = arith.muli %arg1, %mul3A_104 : i32
    %add3A_106 = arith.constant 375 : i32
    %add3A_107 = arith.addi %mul3A_105, %add3A_106 : i32
    %dma_start3A_108 = arith.constant 0 : i32
    %dma_start3A_109 = tpu.memref_slice %arg8[%arg0, %add3A_107, %dma_start3A_108] : memref<2x10000x72xf32, #tpu.memory_space<hbm>> -> memref<1x125x64xf32, #tpu.memory_space<hbm>>
    %dma_start3A_110 = tpu.memref_squeeze %dma_start3A_109 : memref<1x125x64xf32, #tpu.memory_space<hbm>> -> memref<125x64xf32, #tpu.memory_space<hbm>>
    %dma_start3A_111 = arith.constant 0 : i32
    %dma_start3A_112 = tpu.memref_slice %arg8[%arg0, %add3A_107, %dma_start3A_111] : memref<2x10000x72xf32, #tpu.memory_space<hbm>> -> memref<1x125x64xf32, #tpu.memory_space<hbm>>
    %dma_start3A_113 = tpu.memref_squeeze %dma_start3A_112 : memref<1x125x64xf32, #tpu.memory_space<hbm>> -> memref<125x64xf32, #tpu.memory_space<hbm>>
    tpu.enqueue_dma source(%arg17 : memref<125x64xf32, #tpu.memory_space<vmem>>) target(%dma_start3A_113 : memref<125x64xf32, #tpu.memory_space<hbm>>) target_semaphore(%arg31 : memref<!tpu.dma_semaphore, #tpu.memory_space<semaphore_mem>>)
    %mul3A_114 = arith.constant 625 : i32
    %mul3A_115 = arith.muli %arg1, %mul3A_114 : i32
    %add3A_116 = arith.constant 375 : i32
    %add3A_117 = arith.addi %mul3A_115, %add3A_116 : i32
    %dma_start3A_118 = arith.constant 64 : i32
    %dma_start3A_119 = tpu.memref_slice %arg8[%arg0, %add3A_117, %dma_start3A_118] : memref<2x10000x72xf32, #tpu.memory_space<hbm>> -> memref<1x125x8xf32, #tpu.memory_space<hbm>>
    %dma_start3A_120 = tpu.memref_squeeze %dma_start3A_119 : memref<1x125x8xf32, #tpu.memory_space<hbm>> -> memref<125x8xf32, #tpu.memory_space<hbm>>
    %dma_start3A_121 = arith.constant 64 : i32
    %dma_start3A_122 = tpu.memref_slice %arg8[%arg0, %add3A_117, %dma_start3A_121] : memref<2x10000x72xf32, #tpu.memory_space<hbm>> -> memref<1x125x8xf32, #tpu.memory_space<hbm>>
    %dma_start3A_123 = tpu.memref_squeeze %dma_start3A_122 : memref<1x125x8xf32, #tpu.memory_space<hbm>> -> memref<125x8xf32, #tpu.memory_space<hbm>>
    tpu.enqueue_dma source(%arg18 : memref<125x8xf32, #tpu.memory_space<vmem>>) target(%dma_start3A_123 : memref<125x8xf32, #tpu.memory_space<hbm>>) target_semaphore(%arg32 : memref<!tpu.dma_semaphore, #tpu.memory_space<semaphore_mem>>)
    %dma_wait3A_124 = arith.constant 0 : i32
    %dma_wait3A_125 = tpu.memref_slice %arg8[%arg0, %add3A_73, %dma_wait3A_124] : memref<2x10000x72xf32, #tpu.memory_space<hbm>> -> memref<1x125x64xf32, #tpu.memory_space<hbm>>
    %dma_wait3A_126 = tpu.memref_squeeze %dma_wait3A_125 : memref<1x125x64xf32, #tpu.memory_space<hbm>> -> memref<125x64xf32, #tpu.memory_space<hbm>>
    %dma_wait3A_127 = arith.constant 0 : i32
    %dma_wait3A_128 = tpu.memref_slice %arg8[%arg0, %add3A_73, %dma_wait3A_127] : memref<2x10000x72xf32, #tpu.memory_space<hbm>> -> memref<1x125x64xf32, #tpu.memory_space<hbm>>
    %dma_wait3A_129 = tpu.memref_squeeze %dma_wait3A_128 : memref<1x125x64xf32, #tpu.memory_space<hbm>> -> memref<125x64xf32, #tpu.memory_space<hbm>>
    tpu.wait_dma2 semaphore(%arg30 : memref<!tpu.dma_semaphore, #tpu.memory_space<semaphore_mem>>) src(%arg16 : memref<125x64xf32, #tpu.memory_space<vmem>>) dst(%dma_wait3A_129 : memref<125x64xf32, #tpu.memory_space<hbm>>)
    %mul3A_130 = arith.constant 625 : i32
    %mul3A_131 = arith.muli %arg1, %mul3A_130 : i32
    %add3A_132 = arith.constant 500 : i32
    %add3A_133 = arith.addi %mul3A_131, %add3A_132 : i32
    %dma_start3A_134 = tpu.memref_slice %arg2[%add3A_133, %mul3A_2] : memref<10000x128xf32, #tpu.memory_space<hbm>> -> memref<125x64xf32, #tpu.memory_space<hbm>>
    %dma_start3A_135 = tpu.memref_slice %arg2[%add3A_133, %mul3A_2] : memref<10000x128xf32, #tpu.memory_space<hbm>> -> memref<125x64xf32, #tpu.memory_space<hbm>>
    tpu.enqueue_dma source(%dma_start3A_135 : memref<125x64xf32, #tpu.memory_space<hbm>>) target(%arg16 : memref<125x64xf32, #tpu.memory_space<vmem>>) target_semaphore(%arg28 : memref<!tpu.dma_semaphore, #tpu.memory_space<semaphore_mem>>)
    %dma_wait3A_136 = tpu.memref_slice %arg2[%add3A_133, %mul3A_2] : memref<10000x128xf32, #tpu.memory_space<hbm>> -> memref<125x64xf32, #tpu.memory_space<hbm>>
    %dma_wait3A_137 = tpu.memref_slice %arg2[%add3A_133, %mul3A_2] : memref<10000x128xf32, #tpu.memory_space<hbm>> -> memref<125x64xf32, #tpu.memory_space<hbm>>
    tpu.wait_dma2 semaphore(%arg28 : memref<!tpu.dma_semaphore, #tpu.memory_space<semaphore_mem>>) src(%dma_wait3A_137 : memref<125x64xf32, #tpu.memory_space<hbm>>) dst(%arg16 : memref<125x64xf32, #tpu.memory_space<vmem>>)
    %mul3A_138 = arith.constant 625 : i32
    %mul3A_139 = arith.muli %arg1, %mul3A_138 : i32
    %add3A_140 = arith.constant 500 : i32
    %add3A_141 = arith.addi %mul3A_139, %add3A_140 : i32
    %dma_start3A_142 = arith.constant 0 : i32
    %dma_start3A_143 = tpu.memref_slice %arg8[%arg0, %add3A_141, %dma_start3A_142] : memref<2x10000x72xf32, #tpu.memory_space<hbm>> -> memref<1x125x64xf32, #tpu.memory_space<hbm>>
    %dma_start3A_144 = tpu.memref_squeeze %dma_start3A_143 : memref<1x125x64xf32, #tpu.memory_space<hbm>> -> memref<125x64xf32, #tpu.memory_space<hbm>>
    %dma_start3A_145 = arith.constant 0 : i32
    %dma_start3A_146 = tpu.memref_slice %arg8[%arg0, %add3A_141, %dma_start3A_145] : memref<2x10000x72xf32, #tpu.memory_space<hbm>> -> memref<1x125x64xf32, #tpu.memory_space<hbm>>
    %dma_start3A_147 = tpu.memref_squeeze %dma_start3A_146 : memref<1x125x64xf32, #tpu.memory_space<hbm>> -> memref<125x64xf32, #tpu.memory_space<hbm>>
    tpu.enqueue_dma source(%arg16 : memref<125x64xf32, #tpu.memory_space<vmem>>) target(%dma_start3A_147 : memref<125x64xf32, #tpu.memory_space<hbm>>) target_semaphore(%arg30 : memref<!tpu.dma_semaphore, #tpu.memory_space<semaphore_mem>>)
    %mul3A_148 = arith.constant 625 : i32
    %mul3A_149 = arith.muli %arg1, %mul3A_148 : i32
    %add3A_150 = arith.constant 500 : i32
    %add3A_151 = arith.addi %mul3A_149, %add3A_150 : i32
    %dma_start3A_152 = arith.constant 64 : i32
    %dma_start3A_153 = tpu.memref_slice %arg8[%arg0, %add3A_151, %dma_start3A_152] : memref<2x10000x72xf32, #tpu.memory_space<hbm>> -> memref<1x125x8xf32, #tpu.memory_space<hbm>>
    %dma_start3A_154 = tpu.memref_squeeze %dma_start3A_153 : memref<1x125x8xf32, #tpu.memory_space<hbm>> -> memref<125x8xf32, #tpu.memory_space<hbm>>
    %dma_start3A_155 = arith.constant 64 : i32
    %dma_start3A_156 = tpu.memref_slice %arg8[%arg0, %add3A_151, %dma_start3A_155] : memref<2x10000x72xf32, #tpu.memory_space<hbm>> -> memref<1x125x8xf32, #tpu.memory_space<hbm>>
    %dma_start3A_157 = tpu.memref_squeeze %dma_start3A_156 : memref<1x125x8xf32, #tpu.memory_space<hbm>> -> memref<125x8xf32, #tpu.memory_space<hbm>>
    tpu.enqueue_dma source(%arg18 : memref<125x8xf32, #tpu.memory_space<vmem>>) target(%dma_start3A_157 : memref<125x8xf32, #tpu.memory_space<hbm>>) target_semaphore(%arg32 : memref<!tpu.dma_semaphore, #tpu.memory_space<semaphore_mem>>)
    "tpu.region"() ({
      %run_scoped3A = tpu.sem_alloc : memref<!tpu.dma_semaphore, #tpu.memory_space<semaphore_mem>>
      tpu.enqueue_dma source(%arg5 : memref<128x72xf32, #tpu.memory_space<hbm>>) target(%arg15 : memref<128x72xf32, #tpu.memory_space<vmem>>) target_semaphore(%run_scoped3A : memref<!tpu.dma_semaphore, #tpu.memory_space<semaphore_mem>>)
      tpu.wait_dma2 semaphore(%run_scoped3A : memref<!tpu.dma_semaphore, #tpu.memory_space<semaphore_mem>>) src(%arg5 : memref<128x72xf32, #tpu.memory_space<hbm>>) dst(%arg15 : memref<128x72xf32, #tpu.memory_space<vmem>>)
      tpu.yield
    }) : () -> ()
    %add3A_158 = arith.constant 0 : i32
    %add3A_159 = arith.addi %mul3A_0, %add3A_158 : i32
    "tpu.region"() ({
      %run_scoped3A = tpu.sem_alloc : memref<!tpu.dma_semaphore, #tpu.memory_space<semaphore_mem>>
      %dma_start3A_216 = arith.constant 0 : i32
      %dma_start3A_217 = tpu.memref_slice %arg19[%add3A_159, %dma_start3A_216] : memref<10240x72xf32, #tpu.memory_space<vmem_shared>> -> memref<128x72xf32, #tpu.memory_space<vmem_shared>>
      %dma_start3A_218 = arith.constant 0 : i32
      %dma_start3A_219 = tpu.memref_slice %arg19[%add3A_159, %dma_start3A_218] : memref<10240x72xf32, #tpu.memory_space<vmem_shared>> -> memref<128x72xf32, #tpu.memory_space<vmem_shared>>
      tpu.enqueue_dma source(%arg15 : memref<128x72xf32, #tpu.memory_space<vmem>>) target(%dma_start3A_219 : memref<128x72xf32, #tpu.memory_space<vmem_shared>>) target_semaphore(%run_scoped3A : memref<!tpu.dma_semaphore, #tpu.memory_space<semaphore_mem>>)
      %dma_wait3A_220 = arith.constant 0 : i32
      %dma_wait3A_221 = tpu.memref_slice %arg19[%add3A_159, %dma_wait3A_220] : memref<10240x72xf32, #tpu.memory_space<vmem_shared>> -> memref<128x72xf32, #tpu.memory_space<vmem_shared>>
      %dma_wait3A_222 = arith.constant 0 : i32
      %dma_wait3A_223 = tpu.memref_slice %arg19[%add3A_159, %dma_wait3A_222] : memref<10240x72xf32, #tpu.memory_space<vmem_shared>> -> memref<128x72xf32, #tpu.memory_space<vmem_shared>>
      tpu.wait_dma2 semaphore(%run_scoped3A : memref<!tpu.dma_semaphore, #tpu.memory_space<semaphore_mem>>) src(%arg15 : memref<128x72xf32, #tpu.memory_space<vmem>>) dst(%dma_wait3A_223 : memref<128x72xf32, #tpu.memory_space<vmem_shared>>)
      tpu.yield
    }) : () -> ()
    %add3A_160 = arith.constant 128 : i32
    %add3A_161 = arith.addi %mul3A_0, %add3A_160 : i32
    "tpu.region"() ({
      %run_scoped3A = tpu.sem_alloc : memref<!tpu.dma_semaphore, #tpu.memory_space<semaphore_mem>>
      %dma_start3A_216 = arith.constant 0 : i32
      %dma_start3A_217 = tpu.memref_slice %arg19[%add3A_161, %dma_start3A_216] : memref<10240x72xf32, #tpu.memory_space<vmem_shared>> -> memref<128x72xf32, #tpu.memory_space<vmem_shared>>
      %dma_start3A_218 = arith.constant 0 : i32
      %dma_start3A_219 = tpu.memref_slice %arg19[%add3A_161, %dma_start3A_218] : memref<10240x72xf32, #tpu.memory_space<vmem_shared>> -> memref<128x72xf32, #tpu.memory_space<vmem_shared>>
      tpu.enqueue_dma source(%arg15 : memref<128x72xf32, #tpu.memory_space<vmem>>) target(%dma_start3A_219 : memref<128x72xf32, #tpu.memory_space<vmem_shared>>) target_semaphore(%run_scoped3A : memref<!tpu.dma_semaphore, #tpu.memory_space<semaphore_mem>>)
      %dma_wait3A_220 = arith.constant 0 : i32
      %dma_wait3A_221 = tpu.memref_slice %arg19[%add3A_161, %dma_wait3A_220] : memref<10240x72xf32, #tpu.memory_space<vmem_shared>> -> memref<128x72xf32, #tpu.memory_space<vmem_shared>>
      %dma_wait3A_222 = arith.constant 0 : i32
      %dma_wait3A_223 = tpu.memref_slice %arg19[%add3A_161, %dma_wait3A_222] : memref<10240x72xf32, #tpu.memory_space<vmem_shared>> -> memref<128x72xf32, #tpu.memory_space<vmem_shared>>
      tpu.wait_dma2 semaphore(%run_scoped3A : memref<!tpu.dma_semaphore, #tpu.memory_space<semaphore_mem>>) src(%arg15 : memref<128x72xf32, #tpu.memory_space<vmem>>) dst(%dma_wait3A_223 : memref<128x72xf32, #tpu.memory_space<vmem_shared>>)
      tpu.yield
    }) : () -> ()
    %add3A_162 = arith.constant 256 : i32
    %add3A_163 = arith.addi %mul3A_0, %add3A_162 : i32
    "tpu.region"() ({
      %run_scoped3A = tpu.sem_alloc : memref<!tpu.dma_semaphore, #tpu.memory_space<semaphore_mem>>
      %dma_start3A_216 = arith.constant 0 : i32
      %dma_start3A_217 = tpu.memref_slice %arg19[%add3A_163, %dma_start3A_216] : memref<10240x72xf32, #tpu.memory_space<vmem_shared>> -> memref<128x72xf32, #tpu.memory_space<vmem_shared>>
      %dma_start3A_218 = arith.constant 0 : i32
      %dma_start3A_219 = tpu.memref_slice %arg19[%add3A_163, %dma_start3A_218] : memref<10240x72xf32, #tpu.memory_space<vmem_shared>> -> memref<128x72xf32, #tpu.memory_space<vmem_shared>>
      tpu.enqueue_dma source(%arg15 : memref<128x72xf32, #tpu.memory_space<vmem>>) target(%dma_start3A_219 : memref<128x72xf32, #tpu.memory_space<vmem_shared>>) target_semaphore(%run_scoped3A : memref<!tpu.dma_semaphore, #tpu.memory_space<semaphore_mem>>)
      %dma_wait3A_220 = arith.constant 0 : i32
      %dma_wait3A_221 = tpu.memref_slice %arg19[%add3A_163, %dma_wait3A_220] : memref<10240x72xf32, #tpu.memory_space<vmem_shared>> -> memref<128x72xf32, #tpu.memory_space<vmem_shared>>
      %dma_wait3A_222 = arith.constant 0 : i32
      %dma_wait3A_223 = tpu.memref_slice %arg19[%add3A_163, %dma_wait3A_222] : memref<10240x72xf32, #tpu.memory_space<vmem_shared>> -> memref<128x72xf32, #tpu.memory_space<vmem_shared>>
      tpu.wait_dma2 semaphore(%run_scoped3A : memref<!tpu.dma_semaphore, #tpu.memory_space<semaphore_mem>>) src(%arg15 : memref<128x72xf32, #tpu.memory_space<vmem>>) dst(%dma_wait3A_223 : memref<128x72xf32, #tpu.memory_space<vmem_shared>>)
      tpu.yield
    }) : () -> ()
    %add3A_164 = arith.constant 384 : i32
    %add3A_165 = arith.addi %mul3A_0, %add3A_164 : i32
    "tpu.region"() ({
      %run_scoped3A = tpu.sem_alloc : memref<!tpu.dma_semaphore, #tpu.memory_space<semaphore_mem>>
      %dma_start3A_216 = arith.constant 0 : i32
      %dma_start3A_217 = tpu.memref_slice %arg19[%add3A_165, %dma_start3A_216] : memref<10240x72xf32, #tpu.memory_space<vmem_shared>> -> memref<128x72xf32, #tpu.memory_space<vmem_shared>>
      %dma_start3A_218 = arith.constant 0 : i32
      %dma_start3A_219 = tpu.memref_slice %arg19[%add3A_165, %dma_start3A_218] : memref<10240x72xf32, #tpu.memory_space<vmem_shared>> -> memref<128x72xf32, #tpu.memory_space<vmem_shared>>
      tpu.enqueue_dma source(%arg15 : memref<128x72xf32, #tpu.memory_space<vmem>>) target(%dma_start3A_219 : memref<128x72xf32, #tpu.memory_space<vmem_shared>>) target_semaphore(%run_scoped3A : memref<!tpu.dma_semaphore, #tpu.memory_space<semaphore_mem>>)
      %dma_wait3A_220 = arith.constant 0 : i32
      %dma_wait3A_221 = tpu.memref_slice %arg19[%add3A_165, %dma_wait3A_220] : memref<10240x72xf32, #tpu.memory_space<vmem_shared>> -> memref<128x72xf32, #tpu.memory_space<vmem_shared>>
      %dma_wait3A_222 = arith.constant 0 : i32
      %dma_wait3A_223 = tpu.memref_slice %arg19[%add3A_165, %dma_wait3A_222] : memref<10240x72xf32, #tpu.memory_space<vmem_shared>> -> memref<128x72xf32, #tpu.memory_space<vmem_shared>>
      tpu.wait_dma2 semaphore(%run_scoped3A : memref<!tpu.dma_semaphore, #tpu.memory_space<semaphore_mem>>) src(%arg15 : memref<128x72xf32, #tpu.memory_space<vmem>>) dst(%dma_wait3A_223 : memref<128x72xf32, #tpu.memory_space<vmem_shared>>)
      tpu.yield
    }) : () -> ()
    %add3A_166 = arith.constant 512 : i32
    %add3A_167 = arith.addi %mul3A_0, %add3A_166 : i32
    "tpu.region"() ({
      %run_scoped3A = tpu.sem_alloc : memref<!tpu.dma_semaphore, #tpu.memory_space<semaphore_mem>>
      %dma_start3A_216 = arith.constant 0 : i32
      %dma_start3A_217 = tpu.memref_slice %arg19[%add3A_167, %dma_start3A_216] : memref<10240x72xf32, #tpu.memory_space<vmem_shared>> -> memref<128x72xf32, #tpu.memory_space<vmem_shared>>
      %dma_start3A_218 = arith.constant 0 : i32
      %dma_start3A_219 = tpu.memref_slice %arg19[%add3A_167, %dma_start3A_218] : memref<10240x72xf32, #tpu.memory_space<vmem_shared>> -> memref<128x72xf32, #tpu.memory_space<vmem_shared>>
      tpu.enqueue_dma source(%arg15 : memref<128x72xf32, #tpu.memory_space<vmem>>) target(%dma_start3A_219 : memref<128x72xf32, #tpu.memory_space<vmem_shared>>) target_semaphore(%run_scoped3A : memref<!tpu.dma_semaphore, #tpu.memory_space<semaphore_mem>>)
      %dma_wait3A_220 = arith.constant 0 : i32
      %dma_wait3A_221 = tpu.memref_slice %arg19[%add3A_167, %dma_wait3A_220] : memref<10240x72xf32, #tpu.memory_space<vmem_shared>> -> memref<128x72xf32, #tpu.memory_space<vmem_shared>>
      %dma_wait3A_222 = arith.constant 0 : i32
      %dma_wait3A_223 = tpu.memref_slice %arg19[%add3A_167, %dma_wait3A_222] : memref<10240x72xf32, #tpu.memory_space<vmem_shared>> -> memref<128x72xf32, #tpu.memory_space<vmem_shared>>
      tpu.wait_dma2 semaphore(%run_scoped3A : memref<!tpu.dma_semaphore, #tpu.memory_space<semaphore_mem>>) src(%arg15 : memref<128x72xf32, #tpu.memory_space<vmem>>) dst(%dma_wait3A_223 : memref<128x72xf32, #tpu.memory_space<vmem_shared>>)
      tpu.yield
    }) : () -> ()
    %dma_wait3A_168 = arith.constant 0 : i32
    %dma_wait3A_169 = tpu.memref_slice %arg8[%arg0, %add3A_107, %dma_wait3A_168] : memref<2x10000x72xf32, #tpu.memory_space<hbm>> -> memref<1x125x64xf32, #tpu.memory_space<hbm>>
    %dma_wait3A_170 = tpu.memref_squeeze %dma_wait3A_169 : memref<1x125x64xf32, #tpu.memory_space<hbm>> -> memref<125x64xf32, #tpu.memory_space<hbm>>
    %dma_wait3A_171 = arith.constant 0 : i32
    %dma_wait3A_172 = tpu.memref_slice %arg8[%arg0, %add3A_107, %dma_wait3A_171] : memref<2x10000x72xf32, #tpu.memory_space<hbm>> -> memref<1x125x64xf32, #tpu.memory_space<hbm>>
    %dma_wait3A_173 = tpu.memref_squeeze %dma_wait3A_172 : memref<1x125x64xf32, #tpu.memory_space<hbm>> -> memref<125x64xf32, #tpu.memory_space<hbm>>
    tpu.wait_dma2 semaphore(%arg31 : memref<!tpu.dma_semaphore, #tpu.memory_space<semaphore_mem>>) src(%arg17 : memref<125x64xf32, #tpu.memory_space<vmem>>) dst(%dma_wait3A_173 : memref<125x64xf32, #tpu.memory_space<hbm>>)
    %dma_wait3A_174 = arith.constant 0 : i32
    %dma_wait3A_175 = tpu.memref_slice %arg8[%arg0, %add3A_141, %dma_wait3A_174] : memref<2x10000x72xf32, #tpu.memory_space<hbm>> -> memref<1x125x64xf32, #tpu.memory_space<hbm>>
    %dma_wait3A_176 = tpu.memref_squeeze %dma_wait3A_175 : memref<1x125x64xf32, #tpu.memory_space<hbm>> -> memref<125x64xf32, #tpu.memory_space<hbm>>
    %dma_wait3A_177 = arith.constant 0 : i32
    %dma_wait3A_178 = tpu.memref_slice %arg8[%arg0, %add3A_141, %dma_wait3A_177] : memref<2x10000x72xf32, #tpu.memory_space<hbm>> -> memref<1x125x64xf32, #tpu.memory_space<hbm>>
    %dma_wait3A_179 = tpu.memref_squeeze %dma_wait3A_178 : memref<1x125x64xf32, #tpu.memory_space<hbm>> -> memref<125x64xf32, #tpu.memory_space<hbm>>
    tpu.wait_dma2 semaphore(%arg30 : memref<!tpu.dma_semaphore, #tpu.memory_space<semaphore_mem>>) src(%arg16 : memref<125x64xf32, #tpu.memory_space<vmem>>) dst(%dma_wait3A_179 : memref<125x64xf32, #tpu.memory_space<hbm>>)
    %dma_wait3A_180 = arith.constant 64 : i32
    %dma_wait3A_181 = tpu.memref_slice %arg8[%arg0, %add3A_21, %dma_wait3A_180] : memref<2x10000x72xf32, #tpu.memory_space<hbm>> -> memref<1x125x8xf32, #tpu.memory_space<hbm>>
    %dma_wait3A_182 = tpu.memref_squeeze %dma_wait3A_181 : memref<1x125x8xf32, #tpu.memory_space<hbm>> -> memref<125x8xf32, #tpu.memory_space<hbm>>
    %dma_wait3A_183 = arith.constant 64 : i32
    %dma_wait3A_184 = tpu.memref_slice %arg8[%arg0, %add3A_21, %dma_wait3A_183] : memref<2x10000x72xf32, #tpu.memory_space<hbm>> -> memref<1x125x8xf32, #tpu.memory_space<hbm>>
    %dma_wait3A_185 = tpu.memref_squeeze %dma_wait3A_184 : memref<1x125x8xf32, #tpu.memory_space<hbm>> -> memref<125x8xf32, #tpu.memory_space<hbm>>
    tpu.wait_dma2 semaphore(%arg32 : memref<!tpu.dma_semaphore, #tpu.memory_space<semaphore_mem>>) src(%arg18 : memref<125x8xf32, #tpu.memory_space<vmem>>) dst(%dma_wait3A_185 : memref<125x8xf32, #tpu.memory_space<hbm>>)
    %dma_wait3A_186 = arith.constant 64 : i32
    %dma_wait3A_187 = tpu.memref_slice %arg8[%arg0, %add3A_49, %dma_wait3A_186] : memref<2x10000x72xf32, #tpu.memory_space<hbm>> -> memref<1x125x8xf32, #tpu.memory_space<hbm>>
    %dma_wait3A_188 = tpu.memref_squeeze %dma_wait3A_187 : memref<1x125x8xf32, #tpu.memory_space<hbm>> -> memref<125x8xf32, #tpu.memory_space<hbm>>
    %dma_wait3A_189 = arith.constant 64 : i32
    %dma_wait3A_190 = tpu.memref_slice %arg8[%arg0, %add3A_49, %dma_wait3A_189] : memref<2x10000x72xf32, #tpu.memory_space<hbm>> -> memref<1x125x8xf32, #tpu.memory_space<hbm>>
    %dma_wait3A_191 = tpu.memref_squeeze %dma_wait3A_190 : memref<1x125x8xf32, #tpu.memory_space<hbm>> -> memref<125x8xf32, #tpu.memory_space<hbm>>
    tpu.wait_dma2 semaphore(%arg32 : memref<!tpu.dma_semaphore, #tpu.memory_space<semaphore_mem>>) src(%arg18 : memref<125x8xf32, #tpu.memory_space<vmem>>) dst(%dma_wait3A_191 : memref<125x8xf32, #tpu.memory_space<hbm>>)
    %dma_wait3A_192 = arith.constant 64 : i32
    %dma_wait3A_193 = tpu.memref_slice %arg8[%arg0, %add3A_83, %dma_wait3A_192] : memref<2x10000x72xf32, #tpu.memory_space<hbm>> -> memref<1x125x8xf32, #tpu.memory_space<hbm>>
    %dma_wait3A_194 = tpu.memref_squeeze %dma_wait3A_193 : memref<1x125x8xf32, #tpu.memory_space<hbm>> -> memref<125x8xf32, #tpu.memory_space<hbm>>
    %dma_wait3A_195 = arith.constant 64 : i32
    %dma_wait3A_196 = tpu.memref_slice %arg8[%arg0, %add3A_83, %dma_wait3A_195] : memref<2x10000x72xf32, #tpu.memory_space<hbm>> -> memref<1x125x8xf32, #tpu.memory_space<hbm>>
    %dma_wait3A_197 = tpu.memref_squeeze %dma_wait3A_196 : memref<1x125x8xf32, #tpu.memory_space<hbm>> -> memref<125x8xf32, #tpu.memory_space<hbm>>
    tpu.wait_dma2 semaphore(%arg32 : memref<!tpu.dma_semaphore, #tpu.memory_space<semaphore_mem>>) src(%arg18 : memref<125x8xf32, #tpu.memory_space<vmem>>) dst(%dma_wait3A_197 : memref<125x8xf32, #tpu.memory_space<hbm>>)
    %dma_wait3A_198 = arith.constant 64 : i32
    %dma_wait3A_199 = tpu.memref_slice %arg8[%arg0, %add3A_117, %dma_wait3A_198] : memref<2x10000x72xf32, #tpu.memory_space<hbm>> -> memref<1x125x8xf32, #tpu.memory_space<hbm>>
    %dma_wait3A_200 = tpu.memref_squeeze %dma_wait3A_199 : memref<1x125x8xf32, #tpu.memory_space<hbm>> -> memref<125x8xf32, #tpu.memory_space<hbm>>
    %dma_wait3A_201 = arith.constant 64 : i32
    %dma_wait3A_202 = tpu.memref_slice %arg8[%arg0, %add3A_117, %dma_wait3A_201] : memref<2x10000x72xf32, #tpu.memory_space<hbm>> -> memref<1x125x8xf32, #tpu.memory_space<hbm>>
    %dma_wait3A_203 = tpu.memref_squeeze %dma_wait3A_202 : memref<1x125x8xf32, #tpu.memory_space<hbm>> -> memref<125x8xf32, #tpu.memory_space<hbm>>
    tpu.wait_dma2 semaphore(%arg32 : memref<!tpu.dma_semaphore, #tpu.memory_space<semaphore_mem>>) src(%arg18 : memref<125x8xf32, #tpu.memory_space<vmem>>) dst(%dma_wait3A_203 : memref<125x8xf32, #tpu.memory_space<hbm>>)
    %dma_wait3A_204 = arith.constant 64 : i32
    %dma_wait3A_205 = tpu.memref_slice %arg8[%arg0, %add3A_151, %dma_wait3A_204] : memref<2x10000x72xf32, #tpu.memory_space<hbm>> -> memref<1x125x8xf32, #tpu.memory_space<hbm>>
    %dma_wait3A_206 = tpu.memref_squeeze %dma_wait3A_205 : memref<1x125x8xf32, #tpu.memory_space<hbm>> -> memref<125x8xf32, #tpu.memory_space<hbm>>
    %dma_wait3A_207 = arith.constant 64 : i32
    %dma_wait3A_208 = tpu.memref_slice %arg8[%arg0, %add3A_151, %dma_wait3A_207] : memref<2x10000x72xf32, #tpu.memory_space<hbm>> -> memref<1x125x8xf32, #tpu.memory_space<hbm>>
    %dma_wait3A_209 = tpu.memref_squeeze %dma_wait3A_208 : memref<1x125x8xf32, #tpu.memory_space<hbm>> -> memref<125x8xf32, #tpu.memory_space<hbm>>
    tpu.wait_dma2 semaphore(%arg32 : memref<!tpu.dma_semaphore, #tpu.memory_space<semaphore_mem>>) src(%arg18 : memref<125x8xf32, #tpu.memory_space<vmem>>) dst(%dma_wait3A_209 : memref<125x8xf32, #tpu.memory_space<hbm>>)
    %barrier3A = arith.constant 0 : index
    tpu.barrier barrier_id(%barrier3A)
    %scan3A = arith.constant 0 : i32
    %scan3A_210 = arith.constant 0 : i32
    %scan3A_211 = arith.constant 2 : i32
    %scan3A_212 = arith.addi %scan3A_210, %scan3A_211 : i32
    %scan3A_213 = arith.constant 1 : i32
    scf.for %scan3A_216 = %scan3A_210 to %scan3A_212 step %scan3A_213  : i32 {
      %mul3A_217 = arith.constant 80 : i32
      %mul3A_218 = arith.muli %scan3A_216, %mul3A_217 : i32
      "tpu.region"() ({
        %run_scoped3A = tpu.sem_alloc : memref<!tpu.dma_semaphore, #tpu.memory_space<semaphore_mem>>
        %dma_start3A_271 = arith.constant 0 : i32
        %dma_start3A_272 = tpu.memref_slice %arg3[%arg1, %mul3A_218, %dma_start3A_271] : memref<16x160x128xi32, #tpu.memory_space<hbm>> -> memref<1x80x128xi32, #tpu.memory_space<hbm>>
        %dma_start3A_273 = tpu.memref_squeeze %dma_start3A_272 : memref<1x80x128xi32, #tpu.memory_space<hbm>> -> memref<80x128xi32, #tpu.memory_space<hbm>>
        %dma_start3A_274 = arith.constant 0 : i32
        %dma_start3A_275 = tpu.memref_slice %arg3[%arg1, %mul3A_218, %dma_start3A_274] : memref<16x160x128xi32, #tpu.memory_space<hbm>> -> memref<1x80x128xi32, #tpu.memory_space<hbm>>
        %dma_start3A_276 = tpu.memref_squeeze %dma_start3A_275 : memref<1x80x128xi32, #tpu.memory_space<hbm>> -> memref<80x128xi32, #tpu.memory_space<hbm>>
        tpu.enqueue_dma source(%dma_start3A_276 : memref<80x128xi32, #tpu.memory_space<hbm>>) target(%arg9 : memref<80x128xi32, #tpu.memory_space<vmem>>) target_semaphore(%run_scoped3A : memref<!tpu.dma_semaphore, #tpu.memory_space<semaphore_mem>>)
        %dma_wait3A_277 = arith.constant 0 : i32
        %dma_wait3A_278 = tpu.memref_slice %arg3[%arg1, %mul3A_218, %dma_wait3A_277] : memref<16x160x128xi32, #tpu.memory_space<hbm>> -> memref<1x80x128xi32, #tpu.memory_space<hbm>>
        %dma_wait3A_279 = tpu.memref_squeeze %dma_wait3A_278 : memref<1x80x128xi32, #tpu.memory_space<hbm>> -> memref<80x128xi32, #tpu.memory_space<hbm>>
        %dma_wait3A_280 = arith.constant 0 : i32
        %dma_wait3A_281 = tpu.memref_slice %arg3[%arg1, %mul3A_218, %dma_wait3A_280] : memref<16x160x128xi32, #tpu.memory_space<hbm>> -> memref<1x80x128xi32, #tpu.memory_space<hbm>>
        %dma_wait3A_282 = tpu.memref_squeeze %dma_wait3A_281 : memref<1x80x128xi32, #tpu.memory_space<hbm>> -> memref<80x128xi32, #tpu.memory_space<hbm>>
        tpu.wait_dma2 semaphore(%run_scoped3A : memref<!tpu.dma_semaphore, #tpu.memory_space<semaphore_mem>>) src(%dma_wait3A_282 : memref<80x128xi32, #tpu.memory_space<hbm>>) dst(%arg9 : memref<80x128xi32, #tpu.memory_space<vmem>>)
        tpu.yield
      }) : () -> ()
      %mul3A_219 = arith.constant 80 : i32
      %mul3A_220 = arith.muli %scan3A_216, %mul3A_219 : i32
      "tpu.region"() ({
        %run_scoped3A = tpu.sem_alloc : memref<!tpu.dma_semaphore, #tpu.memory_space<semaphore_mem>>
        %dma_start3A_271 = arith.constant 0 : i32
        %dma_start3A_272 = tpu.memref_slice %arg4[%arg1, %mul3A_220, %dma_start3A_271] : memref<16x160x128xi32, #tpu.memory_space<hbm>> -> memref<1x80x128xi32, #tpu.memory_space<hbm>>
        %dma_start3A_273 = tpu.memref_squeeze %dma_start3A_272 : memref<1x80x128xi32, #tpu.memory_space<hbm>> -> memref<80x128xi32, #tpu.memory_space<hbm>>
        %dma_start3A_274 = arith.constant 0 : i32
        %dma_start3A_275 = tpu.memref_slice %arg4[%arg1, %mul3A_220, %dma_start3A_274] : memref<16x160x128xi32, #tpu.memory_space<hbm>> -> memref<1x80x128xi32, #tpu.memory_space<hbm>>
        %dma_start3A_276 = tpu.memref_squeeze %dma_start3A_275 : memref<1x80x128xi32, #tpu.memory_space<hbm>> -> memref<80x128xi32, #tpu.memory_space<hbm>>
        tpu.enqueue_dma source(%dma_start3A_276 : memref<80x128xi32, #tpu.memory_space<hbm>>) target(%arg10 : memref<80x128xi32, #tpu.memory_space<vmem>>) target_semaphore(%run_scoped3A : memref<!tpu.dma_semaphore, #tpu.memory_space<semaphore_mem>>)
        %dma_wait3A_277 = arith.constant 0 : i32
        %dma_wait3A_278 = tpu.memref_slice %arg4[%arg1, %mul3A_220, %dma_wait3A_277] : memref<16x160x128xi32, #tpu.memory_space<hbm>> -> memref<1x80x128xi32, #tpu.memory_space<hbm>>
        %dma_wait3A_279 = tpu.memref_squeeze %dma_wait3A_278 : memref<1x80x128xi32, #tpu.memory_space<hbm>> -> memref<80x128xi32, #tpu.memory_space<hbm>>
        %dma_wait3A_280 = arith.constant 0 : i32
        %dma_wait3A_281 = tpu.memref_slice %arg4[%arg1, %mul3A_220, %dma_wait3A_280] : memref<16x160x128xi32, #tpu.memory_space<hbm>> -> memref<1x80x128xi32, #tpu.memory_space<hbm>>
        %dma_wait3A_282 = tpu.memref_squeeze %dma_wait3A_281 : memref<1x80x128xi32, #tpu.memory_space<hbm>> -> memref<80x128xi32, #tpu.memory_space<hbm>>
        tpu.wait_dma2 semaphore(%run_scoped3A : memref<!tpu.dma_semaphore, #tpu.memory_space<semaphore_mem>>) src(%dma_wait3A_282 : memref<80x128xi32, #tpu.memory_space<hbm>>) dst(%arg10 : memref<80x128xi32, #tpu.memory_space<vmem>>)
        tpu.yield
      }) : () -> ()
      %dma_start3A_221 = arith.constant 0 : i32
      %dma_start3A_222 = arith.constant 0 : i32
      %dma_start3A_223 = tpu.memref_slice %arg9[%dma_start3A_221, %dma_start3A_222] : memref<80x128xi32, #tpu.memory_space<vmem>> -> memref<1x128xi32, #tpu.memory_space<vmem>>
      %dma_start3A_224 = tpu.memref_squeeze %dma_start3A_223 : memref<1x128xi32, #tpu.memory_space<vmem>> -> memref<128xi32, #tpu.memory_space<vmem>>
      %dma_start3A_225 = arith.constant 0 : i32
      %dma_start3A_226 = arith.constant 0 : i32
      %dma_start3A_227 = tpu.memref_slice %arg8[%arg0, %dma_start3A_225, %dma_start3A_226] : memref<2x10000x72xf32, #tpu.memory_space<hbm>> -> memref<1x10000x72xf32, #tpu.memory_space<hbm>>
      %dma_start3A_228 = tpu.memref_squeeze %dma_start3A_227 : memref<1x10000x72xf32, #tpu.memory_space<hbm>> -> memref<10000x72xf32, #tpu.memory_space<hbm>>
      %dma_start3A_229 = arith.constant 0 : i32
      %dma_start3A_230 = arith.constant 0 : i32
      %dma_start3A_231 = tpu.memref_slice %dma_start3A_228[%dma_start3A_229, %dma_start3A_230] : memref<10000x72xf32, #tpu.memory_space<hbm>> -> memref<10000x72xf32, #tpu.memory_space<hbm>>
      tpu.enqueue_indirect_dma source(%dma_start3A_231 : memref<10000x72xf32, #tpu.memory_space<hbm>>) target(%arg11 : memref<128x72xf32, #tpu.memory_space<vmem>>) offsets(%dma_start3A_224 : memref<128xi32, #tpu.memory_space<vmem>>) semaphore(%arg20 : memref<!tpu.dma_semaphore, #tpu.memory_space<semaphore_mem>>)
      %dma_start3A_232 = arith.constant 1 : i32
      %dma_start3A_233 = arith.constant 0 : i32
      %dma_start3A_234 = tpu.memref_slice %arg9[%dma_start3A_232, %dma_start3A_233] : memref<80x128xi32, #tpu.memory_space<vmem>> -> memref<1x128xi32, #tpu.memory_space<vmem>>
      %dma_start3A_235 = tpu.memref_squeeze %dma_start3A_234 : memref<1x128xi32, #tpu.memory_space<vmem>> -> memref<128xi32, #tpu.memory_space<vmem>>
      %dma_start3A_236 = arith.constant 0 : i32
      %dma_start3A_237 = arith.constant 0 : i32
      %dma_start3A_238 = tpu.memref_slice %arg8[%arg0, %dma_start3A_236, %dma_start3A_237] : memref<2x10000x72xf32, #tpu.memory_space<hbm>> -> memref<1x10000x72xf32, #tpu.memory_space<hbm>>
      %dma_start3A_239 = tpu.memref_squeeze %dma_start3A_238 : memref<1x10000x72xf32, #tpu.memory_space<hbm>> -> memref<10000x72xf32, #tpu.memory_space<hbm>>
      %dma_start3A_240 = arith.constant 0 : i32
      %dma_start3A_241 = arith.constant 0 : i32
      %dma_start3A_242 = tpu.memref_slice %dma_start3A_239[%dma_start3A_240, %dma_start3A_241] : memref<10000x72xf32, #tpu.memory_space<hbm>> -> memref<10000x72xf32, #tpu.memory_space<hbm>>
      tpu.enqueue_indirect_dma source(%dma_start3A_242 : memref<10000x72xf32, #tpu.memory_space<hbm>>) target(%arg12 : memref<128x72xf32, #tpu.memory_space<vmem>>) offsets(%dma_start3A_235 : memref<128xi32, #tpu.memory_space<vmem>>) semaphore(%arg21 : memref<!tpu.dma_semaphore, #tpu.memory_space<semaphore_mem>>)
      %dma_start3A_243 = arith.constant 2 : i32
      %dma_start3A_244 = arith.constant 0 : i32
      %dma_start3A_245 = tpu.memref_slice %arg9[%dma_start3A_243, %dma_start3A_244] : memref<80x128xi32, #tpu.memory_space<vmem>> -> memref<1x128xi32, #tpu.memory_space<vmem>>
      %dma_start3A_246 = tpu.memref_squeeze %dma_start3A_245 : memref<1x128xi32, #tpu.memory_space<vmem>> -> memref<128xi32, #tpu.memory_space<vmem>>
      %dma_start3A_247 = arith.constant 0 : i32
      %dma_start3A_248 = arith.constant 0 : i32
      %dma_start3A_249 = tpu.memref_slice %arg8[%arg0, %dma_start3A_247, %dma_start3A_248] : memref<2x10000x72xf32, #tpu.memory_space<hbm>> -> memref<1x10000x72xf32, #tpu.memory_space<hbm>>
      %dma_start3A_250 = tpu.memref_squeeze %dma_start3A_249 : memref<1x10000x72xf32, #tpu.memory_space<hbm>> -> memref<10000x72xf32, #tpu.memory_space<hbm>>
      %dma_start3A_251 = arith.constant 0 : i32
      %dma_start3A_252 = arith.constant 0 : i32
      %dma_start3A_253 = tpu.memref_slice %dma_start3A_250[%dma_start3A_251, %dma_start3A_252] : memref<10000x72xf32, #tpu.memory_space<hbm>> -> memref<10000x72xf32, #tpu.memory_space<hbm>>
      tpu.enqueue_indirect_dma source(%dma_start3A_253 : memref<10000x72xf32, #tpu.memory_space<hbm>>) target(%arg13 : memref<128x72xf32, #tpu.memory_space<vmem>>) offsets(%dma_start3A_246 : memref<128xi32, #tpu.memory_space<vmem>>) semaphore(%arg22 : memref<!tpu.dma_semaphore, #tpu.memory_space<semaphore_mem>>)
      %dma_start3A_254 = arith.constant 3 : i32
      %dma_start3A_255 = arith.constant 0 : i32
      %dma_start3A_256 = tpu.memref_slice %arg9[%dma_start3A_254, %dma_start3A_255] : memref<80x128xi32, #tpu.memory_space<vmem>> -> memref<1x128xi32, #tpu.memory_space<vmem>>
      %dma_start3A_257 = tpu.memref_squeeze %dma_start3A_256 : memref<1x128xi32, #tpu.memory_space<vmem>> -> memref<128xi32, #tpu.memory_space<vmem>>
      %dma_start3A_258 = arith.constant 0 : i32
      %dma_start3A_259 = arith.constant 0 : i32
      %dma_start3A_260 = tpu.memref_slice %arg8[%arg0, %dma_start3A_258, %dma_start3A_259] : memref<2x10000x72xf32, #tpu.memory_space<hbm>> -> memref<1x10000x72xf32, #tpu.memory_space<hbm>>
      %dma_start3A_261 = tpu.memref_squeeze %dma_start3A_260 : memref<1x10000x72xf32, #tpu.memory_space<hbm>> -> memref<10000x72xf32, #tpu.memory_space<hbm>>
      %dma_start3A_262 = arith.constant 0 : i32
      %dma_start3A_263 = arith.constant 0 : i32
      %dma_start3A_264 = tpu.memref_slice %dma_start3A_261[%dma_start3A_262, %dma_start3A_263] : memref<10000x72xf32, #tpu.memory_space<hbm>> -> memref<10000x72xf32, #tpu.memory_space<hbm>>
      tpu.enqueue_indirect_dma source(%dma_start3A_264 : memref<10000x72xf32, #tpu.memory_space<hbm>>) target(%arg14 : memref<128x72xf32, #tpu.memory_space<vmem>>) offsets(%dma_start3A_257 : memref<128xi32, #tpu.memory_space<vmem>>) semaphore(%arg23 : memref<!tpu.dma_semaphore, #tpu.memory_space<semaphore_mem>>)
      %scan3A_265 = arith.constant 0 : i32
      %scan3A_266 = arith.constant 0 : i32
      %scan3A_267 = arith.constant 20 : i32
      %scan3A_268 = arith.addi %scan3A_266, %scan3A_267 : i32
      %scan3A_269 = arith.constant 1 : i32
      scf.for %scan3A_271 = %scan3A_266 to %scan3A_268 step %scan3A_269  : i32 {
        %mul3A_272 = arith.constant 4 : i32
        %mul3A_273 = arith.muli %mul3A_272, %scan3A_271 : i32
        %add3A_274 = arith.constant 0 : i32
        %add3A_275 = arith.addi %mul3A_273, %add3A_274 : i32
        %dma_wait3A_276 = arith.constant 0 : i32
        %dma_wait3A_277 = tpu.memref_slice %arg9[%add3A_275, %dma_wait3A_276] : memref<80x128xi32, #tpu.memory_space<vmem>> -> memref<1x128xi32, #tpu.memory_space<vmem>>
        %dma_wait3A_278 = tpu.memref_squeeze %dma_wait3A_277 : memref<1x128xi32, #tpu.memory_space<vmem>> -> memref<128xi32, #tpu.memory_space<vmem>>
        %dma_wait3A_279 = arith.constant 0 : i32
        %dma_wait3A_280 = arith.constant 0 : i32
        %dma_wait3A_281 = tpu.memref_slice %arg8[%arg0, %dma_wait3A_279, %dma_wait3A_280] : memref<2x10000x72xf32, #tpu.memory_space<hbm>> -> memref<1x10000x72xf32, #tpu.memory_space<hbm>>
        %dma_wait3A_282 = tpu.memref_squeeze %dma_wait3A_281 : memref<1x10000x72xf32, #tpu.memory_space<hbm>> -> memref<10000x72xf32, #tpu.memory_space<hbm>>
        %dma_wait3A_283 = arith.constant 0 : i32
        %dma_wait3A_284 = arith.constant 0 : i32
        %dma_wait3A_285 = tpu.memref_slice %dma_wait3A_282[%dma_wait3A_283, %dma_wait3A_284] : memref<10000x72xf32, #tpu.memory_space<hbm>> -> memref<10000x72xf32, #tpu.memory_space<hbm>>
        tpu.wait_indirect_dma semaphore(%arg20 : memref<!tpu.dma_semaphore, #tpu.memory_space<semaphore_mem>>) src(%dma_wait3A_285 : memref<10000x72xf32, #tpu.memory_space<hbm>>) dst(%arg11 : memref<128x72xf32, #tpu.memory_space<vmem>>)
        %add3A_286 = arith.constant 0 : i32
        %add3A_287 = arith.addi %mul3A_273, %add3A_286 : i32
        %dma_start3A_288 = arith.constant 0 : i32
        %dma_start3A_289 = tpu.memref_slice %arg10[%add3A_287, %dma_start3A_288] : memref<80x128xi32, #tpu.memory_space<vmem>> -> memref<1x128xi32, #tpu.memory_space<vmem>>
        %dma_start3A_290 = tpu.memref_squeeze %dma_start3A_289 : memref<1x128xi32, #tpu.memory_space<vmem>> -> memref<128xi32, #tpu.memory_space<vmem>>
        %dma_start3A_291 = arith.constant 0 : i32
        %dma_start3A_292 = arith.constant 0 : i32
        %dma_start3A_293 = tpu.memref_slice %arg19[%dma_start3A_291, %dma_start3A_292] : memref<10240x72xf32, #tpu.memory_space<vmem_shared>> -> memref<10240x72xf32, #tpu.memory_space<vmem_shared>>
        tpu.enqueue_indirect_dma source(%arg11 : memref<128x72xf32, #tpu.memory_space<vmem>>) target(%dma_start3A_293 : memref<10240x72xf32, #tpu.memory_space<vmem_shared>>) offsets(%dma_start3A_290 : memref<128xi32, #tpu.memory_space<vmem>>) semaphore(%arg24 : memref<!tpu.dma_semaphore, #tpu.memory_space<semaphore_mem>>) {add = true}
        %add3A_294 = arith.constant 1 : i32
        %add3A_295 = arith.addi %mul3A_273, %add3A_294 : i32
        %dma_wait3A_296 = arith.constant 0 : i32
        %dma_wait3A_297 = tpu.memref_slice %arg9[%add3A_295, %dma_wait3A_296] : memref<80x128xi32, #tpu.memory_space<vmem>> -> memref<1x128xi32, #tpu.memory_space<vmem>>
        %dma_wait3A_298 = tpu.memref_squeeze %dma_wait3A_297 : memref<1x128xi32, #tpu.memory_space<vmem>> -> memref<128xi32, #tpu.memory_space<vmem>>
        %dma_wait3A_299 = arith.constant 0 : i32
        %dma_wait3A_300 = arith.constant 0 : i32
        %dma_wait3A_301 = tpu.memref_slice %arg8[%arg0, %dma_wait3A_299, %dma_wait3A_300] : memref<2x10000x72xf32, #tpu.memory_space<hbm>> -> memref<1x10000x72xf32, #tpu.memory_space<hbm>>
        %dma_wait3A_302 = tpu.memref_squeeze %dma_wait3A_301 : memref<1x10000x72xf32, #tpu.memory_space<hbm>> -> memref<10000x72xf32, #tpu.memory_space<hbm>>
        %dma_wait3A_303 = arith.constant 0 : i32
        %dma_wait3A_304 = arith.constant 0 : i32
        %dma_wait3A_305 = tpu.memref_slice %dma_wait3A_302[%dma_wait3A_303, %dma_wait3A_304] : memref<10000x72xf32, #tpu.memory_space<hbm>> -> memref<10000x72xf32, #tpu.memory_space<hbm>>
        tpu.wait_indirect_dma semaphore(%arg21 : memref<!tpu.dma_semaphore, #tpu.memory_space<semaphore_mem>>) src(%dma_wait3A_305 : memref<10000x72xf32, #tpu.memory_space<hbm>>) dst(%arg12 : memref<128x72xf32, #tpu.memory_space<vmem>>)
        %add3A_306 = arith.constant 1 : i32
        %add3A_307 = arith.addi %mul3A_273, %add3A_306 : i32
        %dma_start3A_308 = arith.constant 0 : i32
        %dma_start3A_309 = tpu.memref_slice %arg10[%add3A_307, %dma_start3A_308] : memref<80x128xi32, #tpu.memory_space<vmem>> -> memref<1x128xi32, #tpu.memory_space<vmem>>
        %dma_start3A_310 = tpu.memref_squeeze %dma_start3A_309 : memref<1x128xi32, #tpu.memory_space<vmem>> -> memref<128xi32, #tpu.memory_space<vmem>>
        %dma_start3A_311 = arith.constant 0 : i32
        %dma_start3A_312 = arith.constant 0 : i32
        %dma_start3A_313 = tpu.memref_slice %arg19[%dma_start3A_311, %dma_start3A_312] : memref<10240x72xf32, #tpu.memory_space<vmem_shared>> -> memref<10240x72xf32, #tpu.memory_space<vmem_shared>>
        tpu.enqueue_indirect_dma source(%arg12 : memref<128x72xf32, #tpu.memory_space<vmem>>) target(%dma_start3A_313 : memref<10240x72xf32, #tpu.memory_space<vmem_shared>>) offsets(%dma_start3A_310 : memref<128xi32, #tpu.memory_space<vmem>>) semaphore(%arg25 : memref<!tpu.dma_semaphore, #tpu.memory_space<semaphore_mem>>) {add = true}
        %add3A_314 = arith.constant 2 : i32
        %add3A_315 = arith.addi %mul3A_273, %add3A_314 : i32
        %dma_wait3A_316 = arith.constant 0 : i32
        %dma_wait3A_317 = tpu.memref_slice %arg9[%add3A_315, %dma_wait3A_316] : memref<80x128xi32, #tpu.memory_space<vmem>> -> memref<1x128xi32, #tpu.memory_space<vmem>>
        %dma_wait3A_318 = tpu.memref_squeeze %dma_wait3A_317 : memref<1x128xi32, #tpu.memory_space<vmem>> -> memref<128xi32, #tpu.memory_space<vmem>>
        %dma_wait3A_319 = arith.constant 0 : i32
        %dma_wait3A_320 = arith.constant 0 : i32
        %dma_wait3A_321 = tpu.memref_slice %arg8[%arg0, %dma_wait3A_319, %dma_wait3A_320] : memref<2x10000x72xf32, #tpu.memory_space<hbm>> -> memref<1x10000x72xf32, #tpu.memory_space<hbm>>
        %dma_wait3A_322 = tpu.memref_squeeze %dma_wait3A_321 : memref<1x10000x72xf32, #tpu.memory_space<hbm>> -> memref<10000x72xf32, #tpu.memory_space<hbm>>
        %dma_wait3A_323 = arith.constant 0 : i32
        %dma_wait3A_324 = arith.constant 0 : i32
        %dma_wait3A_325 = tpu.memref_slice %dma_wait3A_322[%dma_wait3A_323, %dma_wait3A_324] : memref<10000x72xf32, #tpu.memory_space<hbm>> -> memref<10000x72xf32, #tpu.memory_space<hbm>>
        tpu.wait_indirect_dma semaphore(%arg22 : memref<!tpu.dma_semaphore, #tpu.memory_space<semaphore_mem>>) src(%dma_wait3A_325 : memref<10000x72xf32, #tpu.memory_space<hbm>>) dst(%arg13 : memref<128x72xf32, #tpu.memory_space<vmem>>)
        %add3A_326 = arith.constant 2 : i32
        %add3A_327 = arith.addi %mul3A_273, %add3A_326 : i32
        %dma_start3A_328 = arith.constant 0 : i32
        %dma_start3A_329 = tpu.memref_slice %arg10[%add3A_327, %dma_start3A_328] : memref<80x128xi32, #tpu.memory_space<vmem>> -> memref<1x128xi32, #tpu.memory_space<vmem>>
        %dma_start3A_330 = tpu.memref_squeeze %dma_start3A_329 : memref<1x128xi32, #tpu.memory_space<vmem>> -> memref<128xi32, #tpu.memory_space<vmem>>
        %dma_start3A_331 = arith.constant 0 : i32
        %dma_start3A_332 = arith.constant 0 : i32
        %dma_start3A_333 = tpu.memref_slice %arg19[%dma_start3A_331, %dma_start3A_332] : memref<10240x72xf32, #tpu.memory_space<vmem_shared>> -> memref<10240x72xf32, #tpu.memory_space<vmem_shared>>
        tpu.enqueue_indirect_dma source(%arg13 : memref<128x72xf32, #tpu.memory_space<vmem>>) target(%dma_start3A_333 : memref<10240x72xf32, #tpu.memory_space<vmem_shared>>) offsets(%dma_start3A_330 : memref<128xi32, #tpu.memory_space<vmem>>) semaphore(%arg26 : memref<!tpu.dma_semaphore, #tpu.memory_space<semaphore_mem>>) {add = true}
        %add3A_334 = arith.constant 3 : i32
        %add3A_335 = arith.addi %mul3A_273, %add3A_334 : i32
        %dma_wait3A_336 = arith.constant 0 : i32
        %dma_wait3A_337 = tpu.memref_slice %arg9[%add3A_335, %dma_wait3A_336] : memref<80x128xi32, #tpu.memory_space<vmem>> -> memref<1x128xi32, #tpu.memory_space<vmem>>
        %dma_wait3A_338 = tpu.memref_squeeze %dma_wait3A_337 : memref<1x128xi32, #tpu.memory_space<vmem>> -> memref<128xi32, #tpu.memory_space<vmem>>
        %dma_wait3A_339 = arith.constant 0 : i32
        %dma_wait3A_340 = arith.constant 0 : i32
        %dma_wait3A_341 = tpu.memref_slice %arg8[%arg0, %dma_wait3A_339, %dma_wait3A_340] : memref<2x10000x72xf32, #tpu.memory_space<hbm>> -> memref<1x10000x72xf32, #tpu.memory_space<hbm>>
        %dma_wait3A_342 = tpu.memref_squeeze %dma_wait3A_341 : memref<1x10000x72xf32, #tpu.memory_space<hbm>> -> memref<10000x72xf32, #tpu.memory_space<hbm>>
        %dma_wait3A_343 = arith.constant 0 : i32
        %dma_wait3A_344 = arith.constant 0 : i32
        %dma_wait3A_345 = tpu.memref_slice %dma_wait3A_342[%dma_wait3A_343, %dma_wait3A_344] : memref<10000x72xf32, #tpu.memory_space<hbm>> -> memref<10000x72xf32, #tpu.memory_space<hbm>>
        tpu.wait_indirect_dma semaphore(%arg23 : memref<!tpu.dma_semaphore, #tpu.memory_space<semaphore_mem>>) src(%dma_wait3A_345 : memref<10000x72xf32, #tpu.memory_space<hbm>>) dst(%arg14 : memref<128x72xf32, #tpu.memory_space<vmem>>)
        %add3A_346 = arith.constant 3 : i32
        %add3A_347 = arith.addi %mul3A_273, %add3A_346 : i32
        %dma_start3A_348 = arith.constant 0 : i32
        %dma_start3A_349 = tpu.memref_slice %arg10[%add3A_347, %dma_start3A_348] : memref<80x128xi32, #tpu.memory_space<vmem>> -> memref<1x128xi32, #tpu.memory_space<vmem>>
        %dma_start3A_350 = tpu.memref_squeeze %dma_start3A_349 : memref<1x128xi32, #tpu.memory_space<vmem>> -> memref<128xi32, #tpu.memory_space<vmem>>
        %dma_start3A_351 = arith.constant 0 : i32
        %dma_start3A_352 = arith.constant 0 : i32
        %dma_start3A_353 = tpu.memref_slice %arg19[%dma_start3A_351, %dma_start3A_352] : memref<10240x72xf32, #tpu.memory_space<vmem_shared>> -> memref<10240x72xf32, #tpu.memory_space<vmem_shared>>
        tpu.enqueue_indirect_dma source(%arg14 : memref<128x72xf32, #tpu.memory_space<vmem>>) target(%dma_start3A_353 : memref<10240x72xf32, #tpu.memory_space<vmem_shared>>) offsets(%dma_start3A_350 : memref<128xi32, #tpu.memory_space<vmem>>) semaphore(%arg27 : memref<!tpu.dma_semaphore, #tpu.memory_space<semaphore_mem>>) {add = true}
        %dma_wait3A_354 = arith.constant 0 : i32
        %dma_wait3A_355 = tpu.memref_slice %arg10[%add3A_287, %dma_wait3A_354] : memref<80x128xi32, #tpu.memory_space<vmem>> -> memref<1x128xi32, #tpu.memory_space<vmem>>
        %dma_wait3A_356 = tpu.memref_squeeze %dma_wait3A_355 : memref<1x128xi32, #tpu.memory_space<vmem>> -> memref<128xi32, #tpu.memory_space<vmem>>
        %dma_wait3A_357 = arith.constant 0 : i32
        %dma_wait3A_358 = arith.constant 0 : i32
        %dma_wait3A_359 = tpu.memref_slice %arg19[%dma_wait3A_357, %dma_wait3A_358] : memref<10240x72xf32, #tpu.memory_space<vmem_shared>> -> memref<10240x72xf32, #tpu.memory_space<vmem_shared>>
        tpu.wait_indirect_dma semaphore(%arg24 : memref<!tpu.dma_semaphore, #tpu.memory_space<semaphore_mem>>) src(%arg11 : memref<128x72xf32, #tpu.memory_space<vmem>>) dst(%dma_wait3A_359 : memref<10240x72xf32, #tpu.memory_space<vmem_shared>>)
        %lt3A = arith.constant 19 : i32
        %lt3A_360 = arith.cmpi slt, %scan3A_271, %lt3A : i32
        %convert_element_type3A = arith.extui %lt3A_360 : i1 to i32
        %cond3A = arith.constant 0 : i32
        %cond3A_361 = arith.cmpi ne, %convert_element_type3A, %cond3A : i32
        scf.if %cond3A_361 {
          %add3A_395 = arith.constant 4 : i32
          %add3A_396 = arith.addi %mul3A_273, %add3A_395 : i32
          %add3A_397 = arith.constant 0 : i32
          %add3A_398 = arith.addi %add3A_396, %add3A_397 : i32
          %dma_start3A_399 = arith.constant 0 : i32
          %dma_start3A_400 = tpu.memref_slice %arg9[%add3A_398, %dma_start3A_399] : memref<80x128xi32, #tpu.memory_space<vmem>> -> memref<1x128xi32, #tpu.memory_space<vmem>>
          %dma_start3A_401 = tpu.memref_squeeze %dma_start3A_400 : memref<1x128xi32, #tpu.memory_space<vmem>> -> memref<128xi32, #tpu.memory_space<vmem>>
          %dma_start3A_402 = arith.constant 0 : i32
          %dma_start3A_403 = arith.constant 0 : i32
          %dma_start3A_404 = tpu.memref_slice %arg8[%arg0, %dma_start3A_402, %dma_start3A_403] : memref<2x10000x72xf32, #tpu.memory_space<hbm>> -> memref<1x10000x72xf32, #tpu.memory_space<hbm>>
          %dma_start3A_405 = tpu.memref_squeeze %dma_start3A_404 : memref<1x10000x72xf32, #tpu.memory_space<hbm>> -> memref<10000x72xf32, #tpu.memory_space<hbm>>
          %dma_start3A_406 = arith.constant 0 : i32
          %dma_start3A_407 = arith.constant 0 : i32
          %dma_start3A_408 = tpu.memref_slice %dma_start3A_405[%dma_start3A_406, %dma_start3A_407] : memref<10000x72xf32, #tpu.memory_space<hbm>> -> memref<10000x72xf32, #tpu.memory_space<hbm>>
          tpu.enqueue_indirect_dma source(%dma_start3A_408 : memref<10000x72xf32, #tpu.memory_space<hbm>>) target(%arg11 : memref<128x72xf32, #tpu.memory_space<vmem>>) offsets(%dma_start3A_401 : memref<128xi32, #tpu.memory_space<vmem>>) semaphore(%arg20 : memref<!tpu.dma_semaphore, #tpu.memory_space<semaphore_mem>>)
        } else {
        }
        %dma_wait3A_362 = arith.constant 0 : i32
        %dma_wait3A_363 = tpu.memref_slice %arg10[%add3A_307, %dma_wait3A_362] : memref<80x128xi32, #tpu.memory_space<vmem>> -> memref<1x128xi32, #tpu.memory_space<vmem>>
        %dma_wait3A_364 = tpu.memref_squeeze %dma_wait3A_363 : memref<1x128xi32, #tpu.memory_space<vmem>> -> memref<128xi32, #tpu.memory_space<vmem>>
        %dma_wait3A_365 = arith.constant 0 : i32
        %dma_wait3A_366 = arith.constant 0 : i32
        %dma_wait3A_367 = tpu.memref_slice %arg19[%dma_wait3A_365, %dma_wait3A_366] : memref<10240x72xf32, #tpu.memory_space<vmem_shared>> -> memref<10240x72xf32, #tpu.memory_space<vmem_shared>>
        tpu.wait_indirect_dma semaphore(%arg25 : memref<!tpu.dma_semaphore, #tpu.memory_space<semaphore_mem>>) src(%arg12 : memref<128x72xf32, #tpu.memory_space<vmem>>) dst(%dma_wait3A_367 : memref<10240x72xf32, #tpu.memory_space<vmem_shared>>)
        %lt3A_368 = arith.constant 19 : i32
        %lt3A_369 = arith.cmpi slt, %scan3A_271, %lt3A_368 : i32
        %convert_element_type3A_370 = arith.extui %lt3A_369 : i1 to i32
        %cond3A_371 = arith.constant 0 : i32
        %cond3A_372 = arith.cmpi ne, %convert_element_type3A_370, %cond3A_371 : i32
        scf.if %cond3A_372 {
          %add3A_395 = arith.constant 4 : i32
          %add3A_396 = arith.addi %mul3A_273, %add3A_395 : i32
          %add3A_397 = arith.constant 1 : i32
          %add3A_398 = arith.addi %add3A_396, %add3A_397 : i32
          %dma_start3A_399 = arith.constant 0 : i32
          %dma_start3A_400 = tpu.memref_slice %arg9[%add3A_398, %dma_start3A_399] : memref<80x128xi32, #tpu.memory_space<vmem>> -> memref<1x128xi32, #tpu.memory_space<vmem>>
          %dma_start3A_401 = tpu.memref_squeeze %dma_start3A_400 : memref<1x128xi32, #tpu.memory_space<vmem>> -> memref<128xi32, #tpu.memory_space<vmem>>
          %dma_start3A_402 = arith.constant 0 : i32
          %dma_start3A_403 = arith.constant 0 : i32
          %dma_start3A_404 = tpu.memref_slice %arg8[%arg0, %dma_start3A_402, %dma_start3A_403] : memref<2x10000x72xf32, #tpu.memory_space<hbm>> -> memref<1x10000x72xf32, #tpu.memory_space<hbm>>
          %dma_start3A_405 = tpu.memref_squeeze %dma_start3A_404 : memref<1x10000x72xf32, #tpu.memory_space<hbm>> -> memref<10000x72xf32, #tpu.memory_space<hbm>>
          %dma_start3A_406 = arith.constant 0 : i32
          %dma_start3A_407 = arith.constant 0 : i32
          %dma_start3A_408 = tpu.memref_slice %dma_start3A_405[%dma_start3A_406, %dma_start3A_407] : memref<10000x72xf32, #tpu.memory_space<hbm>> -> memref<10000x72xf32, #tpu.memory_space<hbm>>
          tpu.enqueue_indirect_dma source(%dma_start3A_408 : memref<10000x72xf32, #tpu.memory_space<hbm>>) target(%arg12 : memref<128x72xf32, #tpu.memory_space<vmem>>) offsets(%dma_start3A_401 : memref<128xi32, #tpu.memory_space<vmem>>) semaphore(%arg21 : memref<!tpu.dma_semaphore, #tpu.memory_space<semaphore_mem>>)
        } else {
        }
        %dma_wait3A_373 = arith.constant 0 : i32
        %dma_wait3A_374 = tpu.memref_slice %arg10[%add3A_327, %dma_wait3A_373] : memref<80x128xi32, #tpu.memory_space<vmem>> -> memref<1x128xi32, #tpu.memory_space<vmem>>
        %dma_wait3A_375 = tpu.memref_squeeze %dma_wait3A_374 : memref<1x128xi32, #tpu.memory_space<vmem>> -> memref<128xi32, #tpu.memory_space<vmem>>
        %dma_wait3A_376 = arith.constant 0 : i32
        %dma_wait3A_377 = arith.constant 0 : i32
        %dma_wait3A_378 = tpu.memref_slice %arg19[%dma_wait3A_376, %dma_wait3A_377] : memref<10240x72xf32, #tpu.memory_space<vmem_shared>> -> memref<10240x72xf32, #tpu.memory_space<vmem_shared>>
        tpu.wait_indirect_dma semaphore(%arg26 : memref<!tpu.dma_semaphore, #tpu.memory_space<semaphore_mem>>) src(%arg13 : memref<128x72xf32, #tpu.memory_space<vmem>>) dst(%dma_wait3A_378 : memref<10240x72xf32, #tpu.memory_space<vmem_shared>>)
        %lt3A_379 = arith.constant 19 : i32
        %lt3A_380 = arith.cmpi slt, %scan3A_271, %lt3A_379 : i32
        %convert_element_type3A_381 = arith.extui %lt3A_380 : i1 to i32
        %cond3A_382 = arith.constant 0 : i32
        %cond3A_383 = arith.cmpi ne, %convert_element_type3A_381, %cond3A_382 : i32
        scf.if %cond3A_383 {
          %add3A_395 = arith.constant 4 : i32
          %add3A_396 = arith.addi %mul3A_273, %add3A_395 : i32
          %add3A_397 = arith.constant 2 : i32
          %add3A_398 = arith.addi %add3A_396, %add3A_397 : i32
          %dma_start3A_399 = arith.constant 0 : i32
          %dma_start3A_400 = tpu.memref_slice %arg9[%add3A_398, %dma_start3A_399] : memref<80x128xi32, #tpu.memory_space<vmem>> -> memref<1x128xi32, #tpu.memory_space<vmem>>
          %dma_start3A_401 = tpu.memref_squeeze %dma_start3A_400 : memref<1x128xi32, #tpu.memory_space<vmem>> -> memref<128xi32, #tpu.memory_space<vmem>>
          %dma_start3A_402 = arith.constant 0 : i32
          %dma_start3A_403 = arith.constant 0 : i32
          %dma_start3A_404 = tpu.memref_slice %arg8[%arg0, %dma_start3A_402, %dma_start3A_403] : memref<2x10000x72xf32, #tpu.memory_space<hbm>> -> memref<1x10000x72xf32, #tpu.memory_space<hbm>>
          %dma_start3A_405 = tpu.memref_squeeze %dma_start3A_404 : memref<1x10000x72xf32, #tpu.memory_space<hbm>> -> memref<10000x72xf32, #tpu.memory_space<hbm>>
          %dma_start3A_406 = arith.constant 0 : i32
          %dma_start3A_407 = arith.constant 0 : i32
          %dma_start3A_408 = tpu.memref_slice %dma_start3A_405[%dma_start3A_406, %dma_start3A_407] : memref<10000x72xf32, #tpu.memory_space<hbm>> -> memref<10000x72xf32, #tpu.memory_space<hbm>>
          tpu.enqueue_indirect_dma source(%dma_start3A_408 : memref<10000x72xf32, #tpu.memory_space<hbm>>) target(%arg13 : memref<128x72xf32, #tpu.memory_space<vmem>>) offsets(%dma_start3A_401 : memref<128xi32, #tpu.memory_space<vmem>>) semaphore(%arg22 : memref<!tpu.dma_semaphore, #tpu.memory_space<semaphore_mem>>)
        } else {
        }
        %dma_wait3A_384 = arith.constant 0 : i32
        %dma_wait3A_385 = tpu.memref_slice %arg10[%add3A_347, %dma_wait3A_384] : memref<80x128xi32, #tpu.memory_space<vmem>> -> memref<1x128xi32, #tpu.memory_space<vmem>>
        %dma_wait3A_386 = tpu.memref_squeeze %dma_wait3A_385 : memref<1x128xi32, #tpu.memory_space<vmem>> -> memref<128xi32, #tpu.memory_space<vmem>>
        %dma_wait3A_387 = arith.constant 0 : i32
        %dma_wait3A_388 = arith.constant 0 : i32
        %dma_wait3A_389 = tpu.memref_slice %arg19[%dma_wait3A_387, %dma_wait3A_388] : memref<10240x72xf32, #tpu.memory_space<vmem_shared>> -> memref<10240x72xf32, #tpu.memory_space<vmem_shared>>
        tpu.wait_indirect_dma semaphore(%arg27 : memref<!tpu.dma_semaphore, #tpu.memory_space<semaphore_mem>>) src(%arg14 : memref<128x72xf32, #tpu.memory_space<vmem>>) dst(%dma_wait3A_389 : memref<10240x72xf32, #tpu.memory_space<vmem_shared>>)
        %lt3A_390 = arith.constant 19 : i32
        %lt3A_391 = arith.cmpi slt, %scan3A_271, %lt3A_390 : i32
        %convert_element_type3A_392 = arith.extui %lt3A_391 : i1 to i32
        %cond3A_393 = arith.constant 0 : i32
        %cond3A_394 = arith.cmpi ne, %convert_element_type3A_392, %cond3A_393 : i32
        scf.if %cond3A_394 {
          %add3A_395 = arith.constant 4 : i32
          %add3A_396 = arith.addi %mul3A_273, %add3A_395 : i32
          %add3A_397 = arith.constant 3 : i32
          %add3A_398 = arith.addi %add3A_396, %add3A_397 : i32
          %dma_start3A_399 = arith.constant 0 : i32
          %dma_start3A_400 = tpu.memref_slice %arg9[%add3A_398, %dma_start3A_399] : memref<80x128xi32, #tpu.memory_space<vmem>> -> memref<1x128xi32, #tpu.memory_space<vmem>>
          %dma_start3A_401 = tpu.memref_squeeze %dma_start3A_400 : memref<1x128xi32, #tpu.memory_space<vmem>> -> memref<128xi32, #tpu.memory_space<vmem>>
          %dma_start3A_402 = arith.constant 0 : i32
          %dma_start3A_403 = arith.constant 0 : i32
          %dma_start3A_404 = tpu.memref_slice %arg8[%arg0, %dma_start3A_402, %dma_start3A_403] : memref<2x10000x72xf32, #tpu.memory_space<hbm>> -> memref<1x10000x72xf32, #tpu.memory_space<hbm>>
          %dma_start3A_405 = tpu.memref_squeeze %dma_start3A_404 : memref<1x10000x72xf32, #tpu.memory_space<hbm>> -> memref<10000x72xf32, #tpu.memory_space<hbm>>
          %dma_start3A_406 = arith.constant 0 : i32
          %dma_start3A_407 = arith.constant 0 : i32
          %dma_start3A_408 = tpu.memref_slice %dma_start3A_405[%dma_start3A_406, %dma_start3A_407] : memref<10000x72xf32, #tpu.memory_space<hbm>> -> memref<10000x72xf32, #tpu.memory_space<hbm>>
          tpu.enqueue_indirect_dma source(%dma_start3A_408 : memref<10000x72xf32, #tpu.memory_space<hbm>>) target(%arg14 : memref<128x72xf32, #tpu.memory_space<vmem>>) offsets(%dma_start3A_401 : memref<128xi32, #tpu.memory_space<vmem>>) semaphore(%arg23 : memref<!tpu.dma_semaphore, #tpu.memory_space<semaphore_mem>>)
        } else {
        }
      }
      %scan3A_270 = arith.constant 20 : i32
    }
    %scan3A_214 = arith.constant 2 : i32
    %barrier3A_215 = arith.constant 0 : index
    tpu.barrier barrier_id(%barrier3A_215)
    "tpu.region"() ({
      %run_scoped3A = tpu.sem_alloc : memref<!tpu.dma_semaphore, #tpu.memory_space<semaphore_mem>>
      %dma_start3A_216 = arith.constant 0 : i32
      %dma_start3A_217 = tpu.memref_slice %arg7[%arg0, %mul3A_0, %dma_start3A_216] : memref<2x10240x72xf32, #tpu.memory_space<hbm>> -> memref<1x640x72xf32, #tpu.memory_space<hbm>>
      %dma_start3A_218 = tpu.memref_squeeze %dma_start3A_217 : memref<1x640x72xf32, #tpu.memory_space<hbm>> -> memref<640x72xf32, #tpu.memory_space<hbm>>
      %dma_start3A_219 = arith.constant 0 : i32
      %dma_start3A_220 = tpu.memref_slice %arg19[%mul3A_0, %dma_start3A_219] : memref<10240x72xf32, #tpu.memory_space<vmem_shared>> -> memref<640x72xf32, #tpu.memory_space<vmem_shared>>
      tpu.enqueue_dma source(%dma_start3A_220 : memref<640x72xf32, #tpu.memory_space<vmem_shared>>) target(%dma_start3A_218 : memref<640x72xf32, #tpu.memory_space<hbm>>) target_semaphore(%run_scoped3A : memref<!tpu.dma_semaphore, #tpu.memory_space<semaphore_mem>>)
      %dma_wait3A_221 = arith.constant 0 : i32
      %dma_wait3A_222 = tpu.memref_slice %arg7[%arg0, %mul3A_0, %dma_wait3A_221] : memref<2x10240x72xf32, #tpu.memory_space<hbm>> -> memref<1x640x72xf32, #tpu.memory_space<hbm>>
      %dma_wait3A_223 = tpu.memref_squeeze %dma_wait3A_222 : memref<1x640x72xf32, #tpu.memory_space<hbm>> -> memref<640x72xf32, #tpu.memory_space<hbm>>
      %dma_wait3A_224 = arith.constant 0 : i32
      %dma_wait3A_225 = tpu.memref_slice %arg19[%mul3A_0, %dma_wait3A_224] : memref<10240x72xf32, #tpu.memory_space<vmem_shared>> -> memref<640x72xf32, #tpu.memory_space<vmem_shared>>
      tpu.wait_dma2 semaphore(%run_scoped3A : memref<!tpu.dma_semaphore, #tpu.memory_space<semaphore_mem>>) src(%dma_wait3A_225 : memref<640x72xf32, #tpu.memory_space<vmem_shared>>) dst(%dma_wait3A_223 : memref<640x72xf32, #tpu.memory_space<hbm>>)
      tpu.yield
    }) : () -> ()
    return
  }
}

module attributes {stable_mosaic.version = 14 : i64} {
  func.func @fin_kernel(%arg0: i32, %arg1: memref<2x1000x72xf32, #tpu.memory_space<vmem>>, %arg2: memref<64x128xf32, #tpu.memory_space<vmem>>, %arg3: memref<64x128xf32, #tpu.memory_space<vmem>>, %arg4: memref<1x128xf32, #tpu.memory_space<vmem>>, %arg5: memref<1000x128xf32, #tpu.memory_space<vmem>>) attributes {dimension_semantics = [#tpu.dimension_semantics<arbitrary>], iteration_bounds = array<i64: 10>, scalar_prefetch = 0 : i64, scratch_operands = 0 : i64, tpu.core_type = #tpu.core_type<tc>, window_params = [{transform_indices = @transform_0, window_bounds = array<i64: 2, 1000, 72>}, {pipeline_mode = #tpu.pipeline_mode<synchronous>, transform_indices = @transform_1, window_bounds = array<i64: 64, 128>}, {pipeline_mode = #tpu.pipeline_mode<synchronous>, transform_indices = @transform_2, window_bounds = array<i64: 64, 128>}, {pipeline_mode = #tpu.pipeline_mode<synchronous>, transform_indices = @transform_3, window_bounds = array<i64: 1, 128>}, {transform_indices = @transform_4, window_bounds = array<i64: 1000, 128>}]} {
    %get3A = arith.constant 0 : index
    %get3A_0 = arith.constant 0 : index
    %get3A_1 = arith.constant 0 : index
    %get3A_2 = vector.load %arg1[%get3A, %get3A_0, %get3A_1] : memref<2x1000x72xf32, #tpu.memory_space<vmem>>, vector<1x1000x72xf32>
    %get3A_3 = vector.shape_cast %get3A_2 : vector<1x1000x72xf32> to vector<1000x72xf32>
    %get3A_4 = arith.constant 1 : index
    %get3A_5 = arith.constant 0 : index
    %get3A_6 = arith.constant 0 : index
    %get3A_7 = vector.load %arg1[%get3A_4, %get3A_5, %get3A_6] : memref<2x1000x72xf32, #tpu.memory_space<vmem>>, vector<1x1000x72xf32>
    %get3A_8 = vector.shape_cast %get3A_7 : vector<1x1000x72xf32> to vector<1000x72xf32>
    %slice3A = vector.extract_strided_slice %get3A_3 {offsets = [0, 64], sizes = [1000, 1], strides = [1, 1]} : vector<1000x72xf32> to vector<1000x1xf32>
    %max3A = arith.constant 1.000000e+00 : f32
    %max3A_9 = vector.broadcast %max3A : f32 to vector<1000x1xf32>
    %max3A_10 = arith.maximumf %slice3A, %max3A_9 : vector<1000x1xf32>
    %slice3A_11 = vector.extract_strided_slice %get3A_3 {offsets = [0, 0], sizes = [1000, 64], strides = [1, 1]} : vector<1000x72xf32> to vector<1000x64xf32>
    %div3A = vector.broadcast %max3A_10 : vector<1000x1xf32> to vector<1000x64xf32>
    %div3A_12 = arith.divf %slice3A_11, %div3A : vector<1000x64xf32>
    %get3A_13 = arith.constant 0 : index
    %get3A_14 = arith.constant 0 : index
    %get3A_15 = vector.load %arg2[%get3A_13, %get3A_14] : memref<64x128xf32, #tpu.memory_space<vmem>>, vector<64x128xf32>
    %dot_general3A = arith.constant dense<0.000000e+00> : vector<1000x128xf32>
    %dot_general3A_16 = tpu.matmul %div3A_12, %get3A_15, %dot_general3A {dimension_numbers = #tpu.dot_dimension_numbers<[1], [0], [0], [1], [0, 0, 1, 1], [], []>, transpose_lhs_hint = false} : vector<1000x64xf32>, vector<64x128xf32>, vector<1000x128xf32> -> vector<1000x128xf32>
    %slice3A_17 = vector.extract_strided_slice %get3A_8 {offsets = [0, 0], sizes = [1000, 64], strides = [1, 1]} : vector<1000x72xf32> to vector<1000x64xf32>
    %div3A_18 = vector.broadcast %max3A_10 : vector<1000x1xf32> to vector<1000x64xf32>
    %div3A_19 = arith.divf %slice3A_17, %div3A_18 : vector<1000x64xf32>
    %get3A_20 = arith.constant 0 : index
    %get3A_21 = arith.constant 0 : index
    %get3A_22 = vector.load %arg3[%get3A_20, %get3A_21] : memref<64x128xf32, #tpu.memory_space<vmem>>, vector<64x128xf32>
    %dot_general3A_23 = arith.constant dense<0.000000e+00> : vector<1000x128xf32>
    %dot_general3A_24 = tpu.matmul %div3A_19, %get3A_22, %dot_general3A_23 {dimension_numbers = #tpu.dot_dimension_numbers<[1], [0], [0], [1], [0, 0, 1, 1], [], []>, transpose_lhs_hint = false} : vector<1000x64xf32>, vector<64x128xf32>, vector<1000x128xf32> -> vector<1000x128xf32>
    %add3A = arith.addf %dot_general3A_16, %dot_general3A_24 : vector<1000x128xf32>
    %get3A_25 = arith.constant 0 : index
    %get3A_26 = arith.constant 0 : index
    %get3A_27 = vector.load %arg4[%get3A_25, %get3A_26] : memref<1x128xf32, #tpu.memory_space<vmem>>, vector<1x128xf32>
    %add3A_28 = vector.broadcast %get3A_27 : vector<1x128xf32> to vector<1000x128xf32>
    %add3A_29 = arith.addf %add3A, %add3A_28 : vector<1000x128xf32>
    %max3A_30 = arith.constant 0.000000e+00 : f32
    %max3A_31 = vector.broadcast %max3A_30 : f32 to vector<1000x128xf32>
    %max3A_32 = arith.maximumf %add3A_29, %max3A_31 : vector<1000x128xf32>
    %swap3A = arith.constant 0 : index
    %swap3A_33 = arith.constant 0 : index
    %swap3A_34 = vector.load %arg5[%swap3A, %swap3A_33] : memref<1000x128xf32, #tpu.memory_space<vmem>>, vector<1000x128xf32>
    tpu.vector_store %arg5[%swap3A, %swap3A_33], %max3A_32 {strides = array<i32>} : memref<1000x128xf32, #tpu.memory_space<vmem>>, vector<1000x128xf32>,
    return
  }
  func.func @transform_0(%arg0: i32) -> (i32, i32, i32) {
    %c0_i32 = arith.constant 0 : i32
    %c0_i32_0 = arith.constant 0 : i32
    %c0_i32_1 = arith.constant 0 : i32
    return %c0_i32, %arg0, %c0_i32_0 : i32, i32, i32
  }
  func.func @transform_1(%arg0: i32) -> (i32, i32) {
    %c0_i32 = arith.constant 0 : i32
    %c0_i32_0 = arith.constant 0 : i32
    %c0_i32_1 = arith.constant 0 : i32
    return %c0_i32, %c0_i32_0 : i32, i32
  }
  func.func @transform_2(%arg0: i32) -> (i32, i32) {
    %c0_i32 = arith.constant 0 : i32
    %c0_i32_0 = arith.constant 0 : i32
    %c0_i32_1 = arith.constant 0 : i32
    return %c0_i32, %c0_i32_0 : i32, i32
  }
  func.func @transform_3(%arg0: i32) -> (i32, i32) {
    %c0_i32 = arith.constant 0 : i32
    %c0_i32_0 = arith.constant 0 : i32
    %c0_i32_1 = arith.constant 0 : i32
    return %c0_i32, %c0_i32_0 : i32, i32
  }
  func.func @transform_4(%arg0: i32) -> (i32, i32) {
    %c0_i32 = arith.constant 0 : i32
    %c0_i32_0 = arith.constant 0 : i32
    return %arg0, %c0_i32 : i32, i32
  }
}

</mosaic_0001>

<sc_bundles>
// kernel: kernel.4.cloned.1.call-start
scs
__scs_entry_jumppad:
0x0: {  	(pc) =	sbr.rel $0x88, $3  }
0x1: {  	(tag) =	ssettag $0x0;
	lr =	simm.s32 $0x1  }
0x2: {  	[smem:$0x3F9D] =	sst lr;
	_ =	strace $0xD0000000  }
0x3: {  	_ = 	snop  }
0x4: {  	_ = 	snop  }
0x5: {  	_ = 	snop  }
0x6: {  	_ = 	snop  }
0x7: {  	_ = 	snop  }
__scs_overlays_trampoline_lowered:
0x8: {  	[smem:$0x3FAC] =	sst s0  }
0x9: {  	[smem:$0x3FAD] =	sst s1  }
0xa: {  	[smem:$0x3FAE] =	sst s2  }
0xb: {  	[smem:$0x3FAF] =	sst s3  }
0xc: {  	[smem:$0x3FB0] =	sst s4  }
0xd: {  	[smem:$0x3FB1] =	sst s5  }
0xe: {  	[smem:$0x3FB2] =	sst s6  }
0xf: {  	[smem:$0x3FB3] =	sst s7  }
0x10: {  	[smem:$0x3FB4] =	sst s8  }
0x11: {  	[smem:$0x3FB5] =	sst s9;
	s0 =	simm.s32 @!p0 $0x0  }
0x12: {  	s1 =	sld [smem:$0x3F9B];
	s0 =	simm.s32 @p0 $0x1  }
0x13: {  	[smem:$0x3FB6] =	sst s0;
	s0 =	simm.s32 @!p1 $0x0  }
0x14: {  	s2 =	sld [smem:$0x3F9A];
	s0 =	simm.s32 @p1 $0x1  }
0x15: {  	[smem:$0x3FB7] =	sst s0;
	s0 =	simm.s32 @!p2 $0x0  }
0x16: {  	s3 =	sld [smem:$0x3FDB];
	s0 =	simm.s32 @p2 $0x1  }
0x17: {  	s4 =	simm.s32 $0x1BF5;
	[smem:$0x3FB9] =	sst s0  }
0x18: {  	s0 =	sld [smem:$0x3F9C];
	_ =	swait.ge [sflag:s4], $0x0  }
0x19: {  	s7 =	sld [smem:$0x3F9D]  }
0x1a: {  	s8 =	sadd.s32 $0xFFFFE003, lr  }
0x1b: {  	s9 =	sadd.s32 $0xFFFFFEF7, lr;
	s5 =	simm.s32 $0xFFFFFFFF;
	p2 =	slt.u32 s8, $0xFFFFF086  }
0x1c: {  	p1 =	slt.u32 s9, $0xF7A;
	s5 =	simm.s32 @!p2 $0x0  }
0x1d: {  	s5 =	simm.s32 @p1 $0x1;
	p0 =	seq.s32 s7, s2  }
0x1e: {  	s7 =	smul.u32 @!p0 $0xF7A, s2;
	p2 =	seq.s32 @!p0 s5, $0x0  }
0x1f: {  	s9 =	smul.u32 $0xF7A, s1;
	s8 =	simm.s32 @!p0 $0x1BF5;
	p2 =	por !p2, p0  }
0x20: {  	[sflag:s8] =	ssyncset.s32 @!p0 $0xFFFFF086;
	s6 =	sadd.s32 @!p0 s3, s7;
	s7 =	simm.s32 @!p0 $0x108  }
0x21: {  	s3 =	sadd.s32 s3, s9;
	s6 =	sadd.s32 @!p0 $0x88, s6;
	s7 =	simm.s32 @p2 $0x1082  }
0x22: {  	[simem:s7], [sflag:s8] =	dma.local @!p0 [hbm:s6], $0xF7A  }
0x23: {  	s9 =	sor.u32 $0xD0000000, s2;
	s6 =	simm.s32 $0x108;
	_ =	swait.ge @!p0 [sflag:s8], $0x0  }
0x24: {  	s3 =	sadd.s32 $0x88, s3;
	s6 =	simm.s32 @!p1 $0x1082;
	[sflag:s4] =	ssyncset.s32 $0xFFFFF086  }
0x25: {  	[simem:s6], [sflag:s4] =	dma.local [hbm:s3], $0xF7A  }
0x26: {  	[smem:$0x3F9D] =	sst s1;
	(tag) =	ssettag s2;
	_ =	strace s9  }
0x27: {  	s1 =	sld [smem:$0x3FAD]  }
0x28: {  	s2 =	sld [smem:$0x3FAE]  }
0x29: {  	s4 =	sld [smem:$0x3FB0]  }
0x2a: {  	p0 =	seq.s32 s5, $0x0;
	s5 =	sld [smem:$0x3FB1]  }
0x2b: {  	s6 =	sld [smem:$0x3FB2]  }
0x2c: {  	s7 =	sld [smem:$0x3FB3]  }
0x2d: {  	s3 =	simm.s32 $0x108;
	s8 =	sld [smem:$0x3FB4]  }
0x2e: {  	s3 =	simm.s32 @!p0 $0x1082;
	s9 =	sld [smem:$0x3FB5]  }
0x2f: {  	lr =	sadd.s32 s0, s3;
	s0 =	sld [smem:$0x3FAC]  }
0x30: {  	s3 =	sld [smem:$0x3FAF]  }
0x31: {  	[smem:$0x3FB8] =	sst s10  }
0x32: {  	s10 =	sld [smem:$0x3FB6];
	_ =	sdelay $0x3  }
0x33: {  	p0 =	seq.s32 s10, $0x1;
	s10 =	sld [smem:$0x3FB8];
	_ =	sdelay $0x3  }
0x34: {  	[smem:$0x3FB8] =	sst s10  }
0x35: {  	s10 =	sld [smem:$0x3FB7];
	_ =	sdelay $0x3  }
0x36: {  	p1 =	seq.s32 s10, $0x1;
	s10 =	sld [smem:$0x3FB8];
	_ =	sdelay $0x3  }
0x37: {  	[smem:$0x3FB8] =	sst s10  }
0x38: {  	s10 =	sld [smem:$0x3FB9]  }
0x39: {  	_ = 	snop;
	(pc) =	sbr.ind lr, $3  }
0x3a: {  	_ = 	snop  }
0x3b: {  	_ = 	snop  }
0x3c: {  	p2 =	seq.s32 s10, $0x1;
	s10 =	sld [smem:$0x3FB8]  }
0x3d: {  	_ =	shalt  }
0x3e: {  	_ =	shalt  }
0x3f: {  	_ =	shalt  }
0x40: {  	_ =	shalt  }
0x41: {  	_ =	shalt  }
0x42: {  	_ =	shalt  }
0x43: {  	_ =	shalt  }
0x44: {  	_ =	shalt  }
0x45: {  	_ =	shalt  }
0x46: {  	_ =	shalt  }
0x47: {  	_ =	shalt  }
0x48: {  	_ =	shalt  }
0x49: {  	_ =	shalt  }
0x4a: {  	_ =	shalt  }
0x4b: {  	_ =	shalt  }
0x4c: {  	_ =	shalt  }
0x4d: {  	_ =	shalt  }
0x4e: {  	_ =	shalt  }
0x4f: {  	_ =	shalt  }
0x50: {  	_ =	shalt  }
0x51: {  	_ =	shalt  }
0x52: {  	_ =	shalt  }
0x53: {  	_ =	shalt  }
0x54: {  	_ =	shalt  }
0x55: {  	_ =	shalt  }
0x56: {  	_ =	shalt  }
0x57: {  	_ =	shalt  }
0x58: {  	_ =	shalt  }
0x59: {  	_ =	shalt  }
0x5a: {  	_ =	shalt  }
0x5b: {  	_ =	shalt  }
0x5c: {  	_ =	shalt  }
0x5d: {  	_ =	shalt  }
0x5e: {  	_ =	shalt  }
0x5f: {  	_ =	shalt  }
0x60: {  	_ =	shalt  }
0x61: {  	_ =	shalt  }
0x62: {  	_ =	shalt  }
0x63: {  	_ =	shalt  }
0x64: {  	_ =	shalt  }
0x65: {  	_ =	shalt  }
0x66: {  	_ =	shalt  }
0x67: {  	_ =	shalt  }
0x68: {  	_ =	shalt  }
0x69: {  	_ =	shalt  }
0x6a: {  	_ =	shalt  }
0x6b: {  	_ =	shalt  }
0x6c: {  	_ =	shalt  }
0x6d: {  	_ =	shalt  }
0x6e: {  	_ =	shalt  }
0x6f: {  	_ =	shalt  }
0x70: {  	_ =	shalt  }
0x71: {  	_ =	shalt  }
0x72: {  	_ =	shalt  }
0x73: {  	_ =	shalt  }
0x74: {  	_ =	shalt  }
0x75: {  	_ =	shalt  }
0x76: {  	_ =	shalt  }
0x77: {  	_ =	shalt  }
0x78: {  	_ =	shalt  }
0x79: {  	_ =	shalt  }
0x7a: {  	_ =	shalt  }
0x7b: {  	_ =	shalt  }
0x7c: {  	_ =	shalt  }
0x7d: {  	_ =	shalt  }
0x7e: {  	_ =	shalt  }
0x7f: {  	_ =	shalt  }
0x80: {  	_ =	shalt  }
0x81: {  	_ =	shalt  }
0x82: {  	_ =	shalt  }
0x83: {  	_ =	shalt  }
0x84: {  	_ =	shalt  }
0x85: {  	_ =	shalt  }
0x86: {  	_ =	shalt  }
0x87: {  	_ =	shalt  }
.Lfunc_end0:
.L_simem_size_0:
called_computation_lowered:
.L_overlay_start_0:
0x88: {  	s2 =	sld [smem:$0x3FD9]  }
0x89: {  	s3 =	sld [smem:$0x3FFE];
	_ =	sdelay $0x1  }
0x8a: {  	s1 =	srdreg.scid  }
0x8b: {  	s0 =	sand.u32 $0x1, s1  }
0x8c: {  	s17 =	sshll.u32 s0, $0xA;
	s2 =	sadd.s32 s3, s2  }
0x8d: {  	s2 =	sadd.s32 s2, s17  }
0x8e: {  	[smem:$0x3FC4] =	sst s2  }
0x8f: {  	_ = 	snop  }
0x90: {  	s2 =	sld [smem:$0x3FC9]  }
0x91: {  	s18 =	sld [smem:$0x3FD0];
	(tm) =	ssettm $0x1  }
0x92: {  	s4 =	sld [smem:$0x3FFB];
	_ =	sdelay $0x3  }
0x93: {  	_ =	strace s4  }
0x94: {  	s4 =	sld [smem:$0x3FFC];
	_ =	sdelay $0x3  }
0x95: {  	_ =	strace s4  }
0x96: {  	s4 =	sld [smem:$0x3FFD];
	_ =	sdelay $0x3  }
0x97: {  	_ =	strace s4  }
0x98: {  	_ =	strace $0x8FFFFFFF  }
0x99: {  	s19 =	sld [smem:$0x3FDB];
	_ =	sdelay $0x1  }
0x9a: {  	s5 =	simm.s32 $_scs_section_size  }
0x9b: {  	s6 =	simm.s32 $_size__tile_overlayer_lowered;
	s7 =	simm.s32 $_tile_overlayer_lowered  }
0x9c: {  	s22 =	simm.s32 $0x1BFF;
	s21 =	sshll.u32 s7, $0x1;
	s4 =	sadd.s32 s5, s19  }
0x9d: {  	s8 =	simm.s32 $0x0;
	s20 =	sshll.u32 s6, $0x1;
	s6 =	sadd.s32 s21, s4  }
0x9e: {  	[timem:s8], [sflag:s22] =	dma.local [hbm:s6], s20  }
0x9f: {  	_ =	swait.ge [sflag:s22], s20  }
0xa0: {  	s5 =	ssub.s32 $0x0, s20;
	[sflag:s22] =	ssyncset.done $0x0  }
0xa1: {  	[sflag:s22] =	ssyncadd.s32 s5;
	_ =	sdelay $0x1  }
0xa2: {  	s23 =	simm.s32 $0x1B8B  }
0xa3: {  	_ =	swait.ge [sflag:s23], $0x1  }
0xa4: {  	[sflag:s23] =	ssyncset.done $0x0  }
0xa5: {  	s25 =	simm.s32 $0x1B8E;
	s24 =	sld [smem:$0x3FFE];
	[sflag:s23] =	ssyncadd.s32 $0xFFFFFFFF  }
0xa6: {  	s26 =	simm.s32 $execute0_lowered;
	[smem:$0x3FD2] =	sst s25  }
0xa7: {  	s6 =	sshll.u32 s26, $0x1;
	_ =	strace $0x80000046;
	[dreg:$0x1] =	wrdreg $0xFFFFFFFF  }
0xa8: {  	s28 =	simm.s32 $_size_execute0_lowered;
	s4 =	sadd.s32 s4, s6;
	[dreg:$0x0] =	wrdreg $0x0  }
0xa9: {  	s6 =	sshll.u32 s28, $0x1;
	[dreg:$0x2] =	wrdreg s4  }
0xaa: {  	[dreg:$0x3] =	wrdreg s6  }
0xab: {  	[dreg:$0x4] =	wrdreg $0xC0  }
0xac: {  	_ =	task [dreg:s8], $0x5FFFF  }
0xad: {  	[dreg:$0x1] =	wrdreg $0xFFFFFFFF  }
0xae: {  	[dreg:$0x0] =	wrdreg $0x60  }
0xaf: {  	[dreg:$0x2] =	wrdreg s2  }
0xb0: {  	[dreg:$0x3] =	wrdreg s18  }
0xb1: {  	[dreg:$0x4] =	wrdreg s24  }
0xb2: {  	[dreg:$0x5] =	wrdreg $0x146680  }
0xb3: {  	[dreg:$0x6] =	wrdreg $0x9  }
0xb4: {  	_ =	task.clear_ibuf [dreg:s8], $0x7FFFF;
	_ =	strace $0x90000046  }
0xb5: {  	s29 =	simm.s32 $0x9;
	_ =	strace $0x80000048  }
0xb6: {  	_ =	swait.ge [sflag:s29], $0x1  }
0xb7: {  	[sflag:s29] =	ssyncadd.s32 $0xFFFFFFFF  }
0xb8: {  	_ =	strace $0x90000048  }
0xb9: {  	_ =	sfence  }
0xba: {  	s30 =	sld [smem:$0x0];
	_ =	sdelay $0x2  }
0xbb: {  	s31 =	sshll.u32 s1, $0xD;
	s1 =	sshrl.u32 s1, $0x2  }
0xbc: {  	s3 =	sand.u32 $0x4000, s31;
	s1 =	sadd.s32 s1, s30  }
0xbd: {  	s0 =	sor.u32 s3, s0;
	s1 =	sshll.u32 s1, $0x11  }
0xbe: {  	s0 =	sor.u32 s1, s0  }
0xbf: {  	s0 =	sadd.s32 $0x8F2B, s0  }
0xc0: {  	[sflag:s0] =	ssyncadd.remote.s32 $0x1  }
0xc1: {  	_ =	sfence.sel $0xFFFF  }
0xc2: {  	[dreg:$0x0] =	wrdreg $0xFFFFFFFF;
	(pc) =	sbr.abs _section_cstart, $3  }
0xc3: {  	[dreg:$0x1] =	wrdreg $0xFFFFFFFF  }
0xc4: {  	_ =	task.clear_ibuf [dreg:s8], $0x2FFFF;
	_ =	strace $0x9FFFFFFF  }
0xc5: {  	(tm) =	ssettm $0x7FFFFFFF  }
tec
execute0_lowered:
.L_overlay_start_1:
0x0: {  	(tag) =	ssettag $0x1  }
0x1: {  	s0 =	rddreg [dreg:$0x0]  }
0x2: {  	s2 =	rddreg [dreg:$0x2];
	s4 =	srdreg.scid  }
0x3: {  	s15 =	stileid.u32;
	s3 =	rddreg [dreg:$0x3];
	s5 =	simm.s32 $0x0  }
0x4: {  	s28 =	simm.s32 $0x1;
	s29 =	simm.s32 $0x2;
	s30 =	simm.s32 $0x3  }
0x5: {  	s31 =	simm.s32 $0x4;
	s4 =	sand.u32 $0x1, s4;
	s6 =	smul.u32 $0xB400, s15  }
0x6: {  	[smem:$0x7FF] =	sst s5;
	s5 =	sadd.s32 $0x400, s2;
	s23 =	smul.u32 $0x271, s15  }
0x7: {  	s8 =	sadd.s32 $0xA400, s2;
	s9 =	sadd.s32 $0x200, s2;
	s24 =	smul.u32 $0x13880, s15  }
0x8: {  	s13 =	smul.u32 $0xAFC8, s15;
	_ =	strace $0x80000047;
	[dreg:$0x5] =	wrdreg s8  }
0x9: {  	s7 =	smul.u32 $0xB4000, s4;
	[dreg:$0x6] =	wrdreg s9;
	s10 =	ssub.s32 $0x2, s4  }
0xa: {  	s11 =	sshll.u32 s4, $0x6;
	s4 =	smul.u32 $0xAFC80, s4;
	s12 =	sshrl.u32 s10, $0x1  }
0xb: {  	s9 =	sor.u32 s11, s24;
	s25 =	sadd.s32 $0x7D, s23;
	s8 =	sshll.u32 s23, $0x7  }
0xc: {  	s24 =	smul.u32 $0x2D000, s15;
	s7 =	sadd.s32 s6, s7;
	s10 =	ssub.s32 s10, s12  }
0xd: {  	s9 =	sshrl.u32 s9, $0x3;
	s14 =	sshll.u32 s25, $0x7;
	s12 =	smul.u32 $0x48, s25  }
0xe: {  	s8 =	sor.u32 s11, s8;
	s6 =	sadd.s32 s6, s3;
	s7 =	sshrl.u32 s7, $0x3  }
0xf: {  	s9 =	sadd.s32 s0, s9;
	s26 =	sor.u32 s11, s14;
	s14 =	sadd.s32 $0x7D00, s8  }
0x10: {  	s20 =	sadd.s32 $0xBB80, s8;
	s8 =	sadd.s32 $0xFA00, s8;
	s25 =	sshrl.u32 s24, $0x2  }
0x11: {  	s7 =	sadd.s32 s7, s2;
	s2 =	sadd.s32 $0xAA00, s2;
	[dreg:$0x7] =	wrdreg s9  }
0x12: {  	s9 =	sadd.s32 s13, s4;
	s12 =	sadd.s32 s4, s12;
	s17 =	sshrl.u32 s14, $0x3  }
0x13: {  	s21 =	sshrl.u32 s20, $0x3;
	s8 =	sshrl.u32 s8, $0x3;
	s4 =	sshrl.u32 s4, $0x3  }
0x14: {  	s20 =	smax.u32 s10, $0x1;
	s13 =	sshrl.u32 s9, $0x3;
	s18 =	sadd.s32 $0x4650, s9  }
0x15: {  	s11 =	sadd.s32 s0, s17;
	s22 =	sadd.s32 $0x6978, s9;
	[dreg:$0x17] =	wrdreg s20  }
0x16: {  	s9 =	sadd.s32 $0x8CA0, s9;
	[dreg:$0xb] =	wrdreg s11;
	s11 =	sadd.s32 s0, s21  }
0x17: {  	s16 =	sadd.s32 s2, s13;
	s13 =	sshrl.u32 s26, $0x3;
	[dreg:$0xd] =	wrdreg s11  }
0x18: {  	s19 =	sshrl.u32 s18, $0x3;
	s1 =	sadd.s32 s0, s13;
	[dreg:$0x8] =	wrdreg s16  }
0x19: {  	s23 =	sshrl.u32 s22, $0x3;
	s0 =	sadd.s32 s0, s8;
	[dreg:$0x9] =	wrdreg s1  }
0x1a: {  	s14 =	sadd.s32 s2, s19;
	s19 =	sadd.s32 $0x36A00, s7;
	[dreg:$0xf] =	wrdreg s0  }
0x1b: {  	s9 =	sshrl.u32 s9, $0x3;
	s22 =	sadd.s32 $0x8, s16;
	[dreg:$0x16] =	wrdreg s19  }
0x1c: {  	s21 =	sadd.s32 s2, s4;
	s4 =	simm.s32 $0xE;
	[dreg:$0x18] =	wrdreg s22  }
0x1d: {  	s13 =	sshrl.u32 s12, $0x3;
	s17 =	sadd.s32 s2, s23;
	[dreg:$0xc] =	wrdreg s14  }
0x1e: {  	s26 =	sadd.s32 s2, s9;
	s7 =	simm.s32 $0x80;
	[dreg:$0xe] =	wrdreg s17  }
0x1f: {  	s16 =	simm.s32 $0x4F00;
	s13 =	sadd.s32 s2, s13;
	[dreg:$0x10] =	wrdreg s26  }
0x20: {  	s1 =	sadd.s32 s25, s3;
	s24 =	sadd.s32 $0x8, s14;
	[dreg:$0xa] =	wrdreg s13  }
0x21: {  	s25 =	sadd.s32 $0x8, s17;
	s26 =	sadd.s32 $0x8, s26;
	[dreg:$0x1a] =	wrdreg s24  }
0x22: {  	s2 =	smul.u32 $0x5000, s15;
	s22 =	simm.s32 $0x5000;
	[dreg:$0x1b] =	wrdreg s25  }
0x23: {  	s14 =	simm.s32 $0x6;
	s11 =	sadd.s32 $0x2400, s1;
	[dreg:$0x1c] =	wrdreg s26  }
0x24: {  	s19 =	simm.s32 $0x4F80;
	s12 =	sadd.s32 $0x4800, s1;
	[dreg:$0x12] =	wrdreg s11  }
0x25: {  	s18 =	sadd.s32 $0x6C00, s1;
	s0 =	sadd.s32 $0x9000, s1;
	[dreg:$0x13] =	wrdreg s12  }
0x26: {  	s23 =	sadd.s32 $0x8, s13;
	s13 =	smov.u32 s6;
	[dreg:$0x14] =	wrdreg s18  }
0x27: {  	s25 =	simm.s32 $0x9800;
	s26 =	simm.s32 $0xBC00;
	[dreg:$0x15] =	wrdreg s0  }
0x28: {  	s1 =	simm.s32 $0x0;
	s24 =	simm.s32 $0x48;
	[dreg:$0x19] =	wrdreg s23  }
0x29: {  	s12 =	simm.s32 $0x8;
	s23 =	simm.s32 $0x7400;
	s18 =	simm.s32 $0x5  }
0x2a: {  	s0 =	simm.s32 $0x7;
	s11 =	simm.s32 $0x4E80;
	[dreg:$0x11] =	wrdreg s13  }
.LBB2_1:
0x2b: {  	[dreg:$0x1d] =	wrdreg s1  }
0x2c: {  	s17 =	simm.s32 $0x0;
	s9 =	rddreg [dreg:$0x6];
	s10 =	simm.s32 $0x14280  }
0x2d: {  	[tilespmem:s10], [sflag:$0xE] =	stream.linear.gather [hbm4b:s9+s17], $0x3E8, $0x38;
	[tilespmem:$0x1FA68] =	vst v63  }
0x2e: {  	_ =	swait.ge [sflag:s4], $0x3E8  }
0x2f: {  	s15 =	simm.s32 $0x40;
	[sflag:s4] =	ssyncset.done $0x0  }
0x30: {  	s1 =	simm.s32 $0x10400;
	s20 =	rddreg [dreg:$0x7];
	[sflag:s4] =	ssyncadd.s32 $0xFFFFFC18  }
0x31: {  	[tilespmem:s1], [sflag:$0x9] =	stream.strided.gather [hbm4b:s20+s15], $0x1F40, s7, s15, $0x38;
	[tilespmem:$0x1FA68] =	vst v63  }
0x32: {  	s20 =	simm.s32 $0x9  }
0x33: {  	_ =	swait.ge [sflag:s20], $0x1F40  }
0x34: {  	[sflag:s20] =	ssyncset.done $0x0  }
0x35: {  	s6 =	rddreg [dreg:$0x8];
	[sflag:s20] =	ssyncadd.s32 $0xFFFFE0C0  }
0x36: {  	[hbm4b:s6+s15] =	stream.strided.scatter [tilespmem:s1], [sflag:$0xB], $0x1F40, s24, s15, $0x38;
	[tilespmem:$0x1FA68] =	vst v63  }
0x37: {  	s8 =	rddreg [dreg:$0x18]  }
0x38: {  	[hbm4b:s8+s12] =	stream.strided.scatter [tilespmem:s10], [sflag:$0xD], $0x3E8, s24, s12, $0x38;
	[tilespmem:$0x1FA68] =	vst v63  }
0x39: {  	s17 =	rddreg [dreg:$0x9];
	s6 =	simm.s32 $0x12340  }
0x3a: {  	[tilespmem:s6], [sflag:$0xA] =	stream.strided.gather [hbm4b:s17+s15], $0x1F40, s7, s15, $0x38;
	[tilespmem:$0x1FA68] =	vst v63  }
0x3b: {  	s17 =	simm.s32 $0xA  }
0x3c: {  	_ =	swait.ge [sflag:s17], $0x1F40  }
0x3d: {  	[sflag:s17] =	ssyncset.done $0x0  }
0x3e: {  	s8 =	rddreg [dreg:$0xa];
	[sflag:s17] =	ssyncadd.s32 $0xFFFFE0C0  }
0x3f: {  	[hbm4b:s8+s15] =	stream.strided.scatter [tilespmem:s6], [sflag:$0xC], $0x1F40, s24, s15, $0x38;
	[tilespmem:$0x1FA68] =	vst v63  }
0x40: {  	s8 =	rddreg [dreg:$0x19]  }
0x41: {  	[hbm4b:s8+s12] =	stream.strided.scatter [tilespmem:s10], [sflag:$0xD], $0x3E8, s24, s12, $0x38;
	[tilespmem:$0x1FA68] =	vst v63  }
0x42: {  	s8 =	smov.u32 s13;
	s13 =	simm.s32 $0xB  }
0x43: {  	_ =	swait.ge [sflag:s13], $0x1F40  }
0x44: {  	[sflag:s13] =	ssyncset.done $0x0  }
0x45: {  	s9 =	rddreg [dreg:$0xb];
	[sflag:s13] =	ssyncadd.s32 $0xFFFFE0C0  }
0x46: {  	[tilespmem:s1], [sflag:$0x9] =	stream.strided.gather [hbm4b:s9+s15], $0x1F40, s7, s15, $0x38;
	[tilespmem:$0x1FA68] =	vst v63  }
0x47: {  	_ =	swait.ge [sflag:s20], $0x1F40  }
0x48: {  	[sflag:s20] =	ssyncset.done $0x0  }
0x49: {  	s9 =	rddreg [dreg:$0xc];
	[sflag:s20] =	ssyncadd.s32 $0xFFFFE0C0  }
0x4a: {  	[hbm4b:s9+s15] =	stream.strided.scatter [tilespmem:s1], [sflag:$0xB], $0x1F40, s24, s15, $0x38;
	[tilespmem:$0x1FA68] =	vst v63  }
0x4b: {  	s9 =	rddreg [dreg:$0x1a]  }
0x4c: {  	[hbm4b:s9+s12] =	stream.strided.scatter [tilespmem:s10], [sflag:$0xD], $0x3E8, s24, s12, $0x38;
	[tilespmem:$0x1FA68] =	vst v63  }
0x4d: {  	s9 =	simm.s32 $0xC  }
0x4e: {  	_ =	swait.ge [sflag:s9], $0x1F40  }
0x4f: {  	[sflag:s9] =	ssyncset.done $0x0  }
0x50: {  	[sflag:s9] =	ssyncadd.s32 $0xFFFFE0C0;
	s9 =	rddreg [dreg:$0xd]  }
0x51: {  	[tilespmem:s6], [sflag:$0xA] =	stream.strided.gather [hbm4b:s9+s15], $0x1F40, s7, s15, $0x38;
	[tilespmem:$0x1FA68] =	vst v63  }
0x52: {  	_ =	swait.ge [sflag:s17], $0x1F40  }
0x53: {  	[sflag:s17] =	ssyncset.done $0x0  }
0x54: {  	s9 =	rddreg [dreg:$0xe];
	[sflag:s17] =	ssyncadd.s32 $0xFFFFE0C0  }
0x55: {  	[hbm4b:s9+s15] =	stream.strided.scatter [tilespmem:s6], [sflag:$0xC], $0x1F40, s24, s15, $0x38;
	[tilespmem:$0x1FA68] =	vst v63  }
0x56: {  	s6 =	rddreg [dreg:$0x1b]  }
0x57: {  	[hbm4b:s6+s12] =	stream.strided.scatter [tilespmem:s10], [sflag:$0xD], $0x3E8, s24, s12, $0x38;
	[tilespmem:$0x1FA68] =	vst v63  }
0x58: {  	_ =	swait.ge [sflag:s13], $0x1F40  }
0x59: {  	[sflag:s13] =	ssyncset.done $0x0  }
0x5a: {  	s6 =	rddreg [dreg:$0xf];
	[sflag:s13] =	ssyncadd.s32 $0xFFFFE0C0  }
0x5b: {  	[tilespmem:s1], [sflag:$0x9] =	stream.strided.gather [hbm4b:s6+s15], $0x1F40, s7, s15, $0x38;
	[tilespmem:$0x1FA68] =	vst v63  }
0x5c: {  	_ =	swait.ge [sflag:s20], $0x1F40  }
0x5d: {  	[sflag:s20] =	ssyncset.done $0x0  }
0x5e: {  	s6 =	rddreg [dreg:$0x10];
	[sflag:s20] =	ssyncadd.s32 $0xFFFFE0C0  }
0x5f: {  	[hbm4b:s6+s15] =	stream.strided.scatter [tilespmem:s1], [sflag:$0xB], $0x1F40, s24, s15, $0x38;
	[tilespmem:$0x1FA68] =	vst v63  }
0x60: {  	s6 =	rddreg [dreg:$0x1c]  }
0x61: {  	[hbm4b:s6+s12] =	stream.strided.scatter [tilespmem:s10], [sflag:$0xD], $0x3E8, s24, s12, $0x38;
	[tilespmem:$0x1FA68] =	vst v63  }
0x62: {  	s9 =	rddreg [dreg:$0x5];
	s10 =	simm.s32 $0xE000;
	s6 =	simm.s32 $0x0  }
0x63: {  	[tilespmem:s10], [sflag:$0xE] =	stream.linear.gather [hbm4b:s9+s6], $0x2400, $0x38;
	[tilespmem:$0x1FA68] =	vst v63  }
0x64: {  	s1 =	rddreg [dreg:$0x1];
	_ =	swait.ge [sflag:s4], $0x2400  }
0x65: {  	[sflag:s4] =	ssyncset.done $0x0  }
0x66: {  	[sflag:s4] =	ssyncadd.s32 $0xFFFFDC00  }
0x67: {  	[spmem:s8] =	stream.linear.scatter [tilespmem:s10], [sflag:$0xE], $0x2400, $0x38;
	[tilespmem:$0x1FA68] =	vst v63  }
0x68: {  	_ =	swait.ge [sflag:s4], $0x2400  }
0x69: {  	[sflag:s4] =	ssyncset.done $0x0  }
0x6a: {  	s9 =	rddreg [dreg:$0x12];
	[sflag:s4] =	ssyncadd.s32 $0xFFFFDC00  }
0x6b: {  	[spmem:s9] =	stream.linear.scatter [tilespmem:s10], [sflag:$0xE], $0x2400, $0x38;
	[tilespmem:$0x1FA68] =	vst v63  }
0x6c: {  	_ =	swait.ge [sflag:s4], $0x2400  }
0x6d: {  	[sflag:s4] =	ssyncset.done $0x0  }
0x6e: {  	s9 =	rddreg [dreg:$0x13];
	[sflag:s4] =	ssyncadd.s32 $0xFFFFDC00  }
0x6f: {  	[spmem:s9] =	stream.linear.scatter [tilespmem:s10], [sflag:$0xE], $0x2400, $0x38;
	[tilespmem:$0x1FA68] =	vst v63  }
0x70: {  	_ =	swait.ge [sflag:s4], $0x2400  }
0x71: {  	[sflag:s4] =	ssyncset.done $0x0  }
0x72: {  	s9 =	rddreg [dreg:$0x14];
	[sflag:s4] =	ssyncadd.s32 $0xFFFFDC00  }
0x73: {  	[spmem:s9] =	stream.linear.scatter [tilespmem:s10], [sflag:$0xE], $0x2400, $0x38;
	[tilespmem:$0x1FA68] =	vst v63  }
0x74: {  	_ =	swait.ge [sflag:s4], $0x2400  }
0x75: {  	[sflag:s4] =	ssyncset.done $0x0  }
0x76: {  	s9 =	rddreg [dreg:$0x15];
	[sflag:s4] =	ssyncadd.s32 $0xFFFFDC00  }
0x77: {  	[spmem:s9] =	stream.linear.scatter [tilespmem:s10], [sflag:$0xE], $0x2400, $0x38;
	[tilespmem:$0x1FA68] =	vst v63  }
0x78: {  	_ =	swait.ge [sflag:s4], $0x2400  }
0x79: {  	[sflag:s4] =	ssyncset.done $0x0  }
0x7a: {  	s10 =	simm.s32 $0xC;
	[sflag:s4] =	ssyncadd.s32 $0xFFFFDC00  }
0x7b: {  	_ =	swait.ge [sflag:s10], $0x1F40  }
0x7c: {  	[sflag:s10] =	ssyncset.done $0x0  }
0x7d: {  	[sflag:s10] =	ssyncadd.s32 $0xFFFFE0C0  }
0x7e: {  	_ =	swait.ge [sflag:s13], $0x1F40  }
0x7f: {  	[sflag:s13] =	ssyncset.done $0x0  }
0x80: {  	[sflag:s13] =	ssyncadd.s32 $0xFFFFE0C0;
	s13 =	simm.s32 $0xD  }
0x81: {  	_ =	swait.ge [sflag:s13], $0x3E8  }
0x82: {  	[sflag:s13] =	ssyncset.done $0x0  }
0x83: {  	[sflag:s13] =	ssyncadd.s32 $0xFFFFFC18  }
0x84: {  	_ =	swait.ge [sflag:s13], $0x3E8  }
0x85: {  	[sflag:s13] =	ssyncset.done $0x0  }
0x86: {  	[sflag:s13] =	ssyncadd.s32 $0xFFFFFC18  }
0x87: {  	_ =	swait.ge [sflag:s13], $0x3E8  }
0x88: {  	[sflag:s13] =	ssyncset.done $0x0  }
0x89: {  	[sflag:s13] =	ssyncadd.s32 $0xFFFFFC18  }
0x8a: {  	_ =	swait.ge [sflag:s13], $0x3E8  }
0x8b: {  	[sflag:s13] =	ssyncset.done $0x0  }
0x8c: {  	[sflag:s13] =	ssyncadd.s32 $0xFFFFFC18  }
0x8d: {  	_ =	swait.ge [sflag:s13], $0x3E8  }
0x8e: {  	p1 =	por $0x1, $0x1;
	s17 =	simm.s32 $0x100;
	[sflag:s13] =	ssyncset.done $0x0  }
0x8f: {  	s20 =	simm.s32 $0x180;
	s15 =	simm.s32 $0x2800;
	[sflag:s13] =	ssyncadd.s32 $0xFFFFFC18  }
0x90: {  	s6 =	simm.s32 $0x0;
	s8 =	simm.s32 $0x4E00;
	[bflag:$0x0] =	sbarrier.arrive $0xFFFF  }
.LBB2_2:
0x91: {  	s6 =	sadd.s32 s2, s6  }
0x92: {  	s6 =	sshrl.u32 s6, $0x3  }
0x93: {  	s9 =	simm.s32 $0x0;
	s13 =	sadd.s32 s1, s6  }
0x94: {  	[tilespmem:s9], [sflag:$0xE] =	stream.linear.gather [hbm4b:s13+s9], $0x2800, $0x38;
	[tilespmem:$0x1FA68] =	vst v63  }
0x95: {  	_ =	swait.ge [sflag:s4], $0x2800  }
0x96: {  	[sflag:s4] =	ssyncset.done $0x0  }
0x97: {  	s6 =	sadd.s32 s5, s6;
	[sflag:s4] =	ssyncadd.s32 $0xFFFFD800  }
0x98: {  	[tilespmem:s15], [sflag:$0xE] =	stream.linear.gather [hbm4b:s6+s9], $0x2800, $0x38;
	[tilespmem:$0x1FA68] =	vst v63  }
0x99: {  	_ =	swait.ge [sflag:s4], $0x2800  }
0x9a: {  	[sflag:s4] =	ssyncset.done $0x0  }
0x9b: {  	[sflag:s4] =	ssyncadd.s32 $0xFFFFD800  }
0x9c: {  	[tilespmem:s22], [sflag:$0x1] =	stream.indirect.gather [hbm4b:s21+s7], $0x48, s9, s7, $0xb8;
	[tilespmem:$0x1FA68] =	vst v63  }
0x9d: {  	_ = 	snop  }
0x9e: {  	[tilespmem:s23], [sflag:$0x2] =	stream.indirect.gather [hbm4b:s21+s7], $0x48, s7, s7, $0xb8;
	[tilespmem:$0x1FA68] =	vst v63  }
0x9f: {  	_ = 	snop  }
0xa0: {  	[tilespmem:s25], [sflag:$0x3] =	stream.indirect.gather [hbm4b:s21+s7], $0x48, s17, s7, $0xb8;
	[tilespmem:$0x1FA68] =	vst v63  }
0xa1: {  	_ = 	snop  }
0xa2: {  	[tilespmem:s26], [sflag:$0x4] =	stream.indirect.gather [hbm4b:s21+s7], $0x48, s20, s7, $0xb8;
	[tilespmem:$0x1FA68] =	vst v63  }
0xa3: {  	_ =	swait.ge [sflag:s28], $0x2400  }
0xa4: {  	[sflag:s28] =	ssyncset.done $0x0  }
0xa5: {  	s13 =	simm.s32 $0x2800;
	[sflag:s28] =	ssyncadd.s32 $0xFFFFDC00  }
0xa6: {  	[spmem:s3] =	stream.indirect.scatter.add.f32 [tilespmem:s22], [sflag:$0x5], $0x48, s13, s7, $0xb8;
	[tilespmem:$0x1FA68] =	vst v63  }
0xa7: {  	_ =	swait.ge [sflag:s29], $0x2400  }
0xa8: {  	[sflag:s29] =	ssyncset.done $0x0  }
0xa9: {  	s9 =	simm.s32 $0x2880;
	[sflag:s29] =	ssyncadd.s32 $0xFFFFDC00  }
0xaa: {  	[spmem:s3] =	stream.indirect.scatter.add.f32 [tilespmem:s23], [sflag:$0x6], $0x48, s9, s7, $0xb8;
	[tilespmem:$0x1FA68] =	vst v63  }
0xab: {  	_ =	swait.ge [sflag:s30], $0x2400  }
0xac: {  	[sflag:s30] =	ssyncset.done $0x0  }
0xad: {  	s10 =	simm.s32 $0x2900;
	[sflag:s30] =	ssyncadd.s32 $0xFFFFDC00  }
0xae: {  	[spmem:s3] =	stream.indirect.scatter.add.f32 [tilespmem:s25], [sflag:$0x7], $0x48, s10, s7, $0xb8;
	[tilespmem:$0x1FA68] =	vst v63  }
0xaf: {  	_ =	swait.ge [sflag:s31], $0x2400  }
0xb0: {  	[sflag:s31] =	ssyncset.done $0x0  }
0xb1: {  	s13 =	simm.s32 $0x2980;
	[sflag:s31] =	ssyncadd.s32 $0xFFFFDC00  }
0xb2: {  	[spmem:s3] =	stream.indirect.scatter.add.f32 [tilespmem:s26], [sflag:$0x8], $0x48, s13, s7, $0xb8;
	[tilespmem:$0x1FA68] =	vst v63  }
0xb3: {  	_ =	swait.ge [sflag:s18], $0x2400  }
0xb4: {  	[sflag:s18] =	ssyncset.done $0x0  }
0xb5: {  	s9 =	simm.s32 $0x200;
	[sflag:s18] =	ssyncadd.s32 $0xFFFFDC00  }
0xb6: {  	[tilespmem:s22], [sflag:$0x1] =	stream.indirect.gather [hbm4b:s21+s7], $0x48, s9, s7, $0xb8;
	[tilespmem:$0x1FA68] =	vst v63  }
0xb7: {  	_ =	swait.ge [sflag:s14], $0x2400  }
0xb8: {  	[sflag:s14] =	ssyncset.done $0x0  }
0xb9: {  	s10 =	simm.s32 $0x280;
	[sflag:s14] =	ssyncadd.s32 $0xFFFFDC00  }
0xba: {  	[tilespmem:s23], [sflag:$0x2] =	stream.indirect.gather [hbm4b:s21+s7], $0x48, s10, s7, $0xb8;
	[tilespmem:$0x1FA68] =	vst v63  }
0xbb: {  	_ =	swait.ge [sflag:s0], $0x2400  }
0xbc: {  	[sflag:s0] =	ssyncset.done $0x0  }
0xbd: {  	s13 =	simm.s32 $0x300;
	[sflag:s0] =	ssyncadd.s32 $0xFFFFDC00  }
0xbe: {  	[tilespmem:s25], [sflag:$0x3] =	stream.indirect.gather [hbm4b:s21+s7], $0x48, s13, s7, $0xb8;
	[tilespmem:$0x1FA68] =	vst v63  }
0xbf: {  	_ =	swait.ge [sflag:s12], $0x2400  }
0xc0: {  	p0 =	por p1, p1;
	[sflag:s12] =	ssyncset.done $0x0  }
0xc1: {  	s6 =	simm.s32 $0x380;
	s13 =	simm.s32 $0x800;
	[sflag:s12] =	ssyncadd.s32 $0xFFFFDC00  }
.LBB2_3:
0xc2: {  	[tilespmem:s26], [sflag:$0x4] =	stream.indirect.gather [hbm4b:s21+s7], $0x48, s6, s7, $0xb8;
	[tilespmem:$0x1FA68] =	vst v63  }
0xc3: {  	s6 =	smov.u32 s13  }
0xc4: {  	p1 =	sne.s32 s13, $0x9000;
	s13 =	sadd.s32 $0x800, s13;
	_ =	swait.ge [sflag:s28], $0x2400  }
0xc5: {  	s6 =	sshra.s32 s6, $0x2;
	[sflag:s28] =	ssyncset.done $0x0  }
0xc6: {  	s9 =	sadd.s32 $0x2800, s6;
	[sflag:s28] =	ssyncadd.s32 $0xFFFFDC00  }
0xc7: {  	[spmem:s3] =	stream.indirect.scatter.add.f32 [tilespmem:s22], [sflag:$0x5], $0x48, s9, s7, $0xb8;
	[tilespmem:$0x1FA68] =	vst v63  }
0xc8: {  	_ =	swait.ge [sflag:s29], $0x2400  }
0xc9: {  	[sflag:s29] =	ssyncset.done $0x0  }
0xca: {  	s9 =	sadd.s32 $0x2880, s6;
	[sflag:s29] =	ssyncadd.s32 $0xFFFFDC00  }
0xcb: {  	[spmem:s3] =	stream.indirect.scatter.add.f32 [tilespmem:s23], [sflag:$0x6], $0x48, s9, s7, $0xb8;
	[tilespmem:$0x1FA68] =	vst v63  }
0xcc: {  	_ =	swait.ge [sflag:s30], $0x2400  }
0xcd: {  	[sflag:s30] =	ssyncset.done $0x0  }
0xce: {  	s9 =	sadd.s32 $0x2900, s6;
	[sflag:s30] =	ssyncadd.s32 $0xFFFFDC00  }
0xcf: {  	[spmem:s3] =	stream.indirect.scatter.add.f32 [tilespmem:s25], [sflag:$0x7], $0x48, s9, s7, $0xb8;
	[tilespmem:$0x1FA68] =	vst v63  }
0xd0: {  	_ =	swait.ge [sflag:s31], $0x2400  }
0xd1: {  	[sflag:s31] =	ssyncset.done $0x0  }
0xd2: {  	s9 =	sadd.s32 $0x2980, s6;
	[sflag:s31] =	ssyncadd.s32 $0xFFFFDC00  }
0xd3: {  	[spmem:s3] =	stream.indirect.scatter.add.f32 [tilespmem:s26], [sflag:$0x8], $0x48, s9, s7, $0xb8;
	[tilespmem:$0x1FA68] =	vst v63  }
0xd4: {  	_ =	swait.ge [sflag:s18], $0x2400  }
0xd5: {  	[sflag:s18] =	ssyncset.done $0x0  }
0xd6: {  	s9 =	sadd.s32 $0x200, s6;
	[sflag:s18] =	ssyncadd.s32 $0xFFFFDC00  }
0xd7: {  	[tilespmem:s22], [sflag:$0x1] =	stream.indirect.gather [hbm4b:s21+s7], $0x48, s9, s7, $0xb8;
	[tilespmem:$0x1FA68] =	vst v63  }
0xd8: {  	_ =	swait.ge [sflag:s14], $0x2400  }
0xd9: {  	[sflag:s14] =	ssyncset.done $0x0  }
0xda: {  	s9 =	sadd.s32 $0x280, s6;
	[sflag:s14] =	ssyncadd.s32 $0xFFFFDC00  }
0xdb: {  	[tilespmem:s23], [sflag:$0x2] =	stream.indirect.gather [hbm4b:s21+s7], $0x48, s9, s7, $0xb8;
	[tilespmem:$0x1FA68] =	vst v63  }
0xdc: {  	_ =	swait.ge [sflag:s0], $0x2400  }
0xdd: {  	[sflag:s0] =	ssyncset.done $0x0  }
.Ltmp0:
0xde: {  	s9 =	sadd.s32 $0x300, s6;
	[sflag:s0] =	ssyncadd.s32 $0xFFFFDC00;
	(pc) =	sbr.rel @p1 .LBB2_3-.Ltmp0, $4  }
0xdf: {  	[tilespmem:s25], [sflag:$0x3] =	stream.indirect.gather [hbm4b:s21+s7], $0x48, s9, s7, $0xb8;
	[tilespmem:$0x1FA68] =	vst v63  }
0xe0: {  	_ =	swait.ge [sflag:s12], $0x2400  }
0xe1: {  	[sflag:s12] =	ssyncset.done $0x0  }
0xe2: {  	s6 =	sadd.s32 $0x380, s6;
	[sflag:s12] =	ssyncadd.s32 $0xFFFFDC00  }
0xe3: {  	[tilespmem:s26], [sflag:$0x4] =	stream.indirect.gather [hbm4b:s21+s7], $0x48, s6, s7, $0xb8;
	[tilespmem:$0x1FA68] =	vst v63  }
0xe4: {  	_ =	swait.ge [sflag:s28], $0x2400  }
0xe5: {  	[sflag:s28] =	ssyncset.done $0x0  }
0xe6: {  	[sflag:s28] =	ssyncadd.s32 $0xFFFFDC00  }
0xe7: {  	[spmem:s3] =	stream.indirect.scatter.add.f32 [tilespmem:s22], [sflag:$0x5], $0x48, s8, s7, $0xb8;
	[tilespmem:$0x1FA68] =	vst v63  }
0xe8: {  	_ =	swait.ge [sflag:s29], $0x2400  }
0xe9: {  	[sflag:s29] =	ssyncset.done $0x0  }
0xea: {  	[sflag:s29] =	ssyncadd.s32 $0xFFFFDC00  }
0xeb: {  	[spmem:s3] =	stream.indirect.scatter.add.f32 [tilespmem:s23], [sflag:$0x6], $0x48, s11, s7, $0xb8;
	[tilespmem:$0x1FA68] =	vst v63  }
0xec: {  	_ =	swait.ge [sflag:s30], $0x2400  }
0xed: {  	[sflag:s30] =	ssyncset.done $0x0  }
0xee: {  	[sflag:s30] =	ssyncadd.s32 $0xFFFFDC00  }
0xef: {  	[spmem:s3] =	stream.indirect.scatter.add.f32 [tilespmem:s25], [sflag:$0x7], $0x48, s16, s7, $0xb8;
	[tilespmem:$0x1FA68] =	vst v63  }
0xf0: {  	_ =	swait.ge [sflag:s31], $0x2400  }
0xf1: {  	[sflag:s31] =	ssyncset.done $0x0  }
0xf2: {  	[sflag:s31] =	ssyncadd.s32 $0xFFFFDC00  }
0xf3: {  	[spmem:s3] =	stream.indirect.scatter.add.f32 [tilespmem:s26], [sflag:$0x8], $0x48, s19, s7, $0xb8;
	[tilespmem:$0x1FA68] =	vst v63  }
0xf4: {  	_ =	swait.ge [sflag:s18], $0x2400  }
0xf5: {  	[sflag:s18] =	ssyncset.done $0x0  }
0xf6: {  	[sflag:s18] =	ssyncadd.s32 $0xFFFFDC00  }
0xf7: {  	_ =	swait.ge [sflag:s14], $0x2400  }
0xf8: {  	[sflag:s14] =	ssyncset.done $0x0  }
0xf9: {  	[sflag:s14] =	ssyncadd.s32 $0xFFFFDC00  }
0xfa: {  	_ =	swait.ge [sflag:s0], $0x2400  }
.Ltmp1:
0xfb: {  	[sflag:s0] =	ssyncset.done $0x0;
	(pc) =	sbr.rel @p0 .LBB2_2-.Ltmp1, $4  }
0xfc: {  	[sflag:s0] =	ssyncadd.s32 $0xFFFFDC00  }
0xfd: {  	_ =	swait.ge [sflag:s12], $0x2400  }
0xfe: {  	[sflag:s12] =	ssyncset.done $0x0  }
0xff: {  	s6 =	simm.s32 $0x2800;
	p1 =	por $0x0, $0x0;
	[sflag:s12] =	ssyncadd.s32 $0xFFFFDC00  }
0x100: {  	s6 =	stileid.u32;
	[bflag:$0x0] =	sbarrier.arrive $0xFFFF  }
0x101: {  	s6 =	sshll.u32 s6, $0x6;
	s13 =	rddreg [dreg:$0x11]  }
0x102: {  	s10 =	rddreg [dreg:$0x16];
	s6 =	sor.u32 $0x1C0E, s6;
	s9 =	sshrl.u32 s13, $0x3  }
0x103: {  	[hbm:s10], [sflag:s6] =	dma.local [spmem:s9], $0x1680  }
0x104: {  	_ =	swait.ge [sflag:s4], $0x1680  }
0x105: {  	s1 =	rddreg [dreg:$0x1d]  }
0x106: {  	s20 =	rddreg [dreg:$0x17];
	s1 =	sadd.s32 $0x1, s1  }
0x107: {  	p0 =	sne.s32 s1, s20  }
.Ltmp2:
0x108: {  	_ = 	snop;
	(pc) =	sbr.rel @p0 .LBB2_1-.Ltmp2, $3  }
0x109: {  	_ =	sdelay $0x1  }
0x10a: {  	[sflag:s4] =	ssyncset.done $0x0  }
0x10b: {  	[sflag:s4] =	ssyncadd.s32 $0xFFFFE980  }
0x10c: {  	_ =	sfence.sel $0x180000  }
0x10d: {  	[bflag:$0x0] =	sbarrier.arrive $0xFFFF  }
0x10e: {  	_ =	strace $0x90000047  }
0x10f: {  	s0 =	stileid.u32;
	[bflag:$0x2] =	sbarrier.arrive $0xFFFF  }
0x110: {  	p0 =	sne.s32 s0, $0x0;
	s0 =	rddreg [dreg:$0x4]  }
0x111: {  	s0 =	sadd.s32 @!p0 $0x100000, s0  }
0x112: {  	[sflag:s0] =	ssyncadd.tile.s32 @!p0 $0x1;
	_ =	shalt  }
.Lfunc_end2:
_tile_overlayer_lowered:
.L_overlay_start_2:
0x113: {  	(tag) =	ssettag $0x2  }
0x114: {  	s0 =	rddreg [dreg:$0x0];
	s2 =	stileid.u32  }
0x115: {  	s1 =	rddreg [dreg:$0x1];
	p0 =	sne.s32 s2, $0x0  }
0x116: {  	s3 =	rddreg [dreg:$0x2];
	[bflag:$0x3] =	sbarrier.arrive $0xFFFF;
	s2 =	simm.s32 @!p0 $0x1C0E  }
0x117: {  	[timem:s3], [sflag:s2] =	dma.local @!p0 [hbm:s0], s1  }
0x118: {  	s0 =	simm.s32 @!p0 $0xE  }
0x119: {  	_ =	swait.ge @!p0 [sflag:s0], s1  }
0x11a: {  	s1 =	ssub.s32 @!p0 $0x0, s1;
	[sflag:s0] =	ssyncset.done @!p0 $0x0  }
0x11b: {  	[sflag:s0] =	ssyncadd.s32 @!p0 s1  }
0x11c: {  	[bflag:$0x3] =	sbarrier.arrive $0xFFFF  }
0x11d: {  	_ =	shalt  }

</sc_bundles>
